<compile_context>
chip_gen: v7x
topology: tpu7x:2x2x1
jax: 0.10.2.dev20260603
libtpu: 0.0.44.dev20260713+nightly
codegen_flags: <defaults>
</compile_context>

<pallas_src>
import functools

import jax
import jax.numpy as jnp
from jax import lax
from jax.experimental import pallas as pl
from jax.experimental.pallas import tpu as pltpu
from jax.experimental.pallas import tpu_sc as plsc

NUM_DOMAINS = 4
BATCH = 1024
K = 20
FEAT = 1024

_NEG = float("-inf")

_L = 16
_NW = 32
_N = (NUM_DOMAINS + 1) * BATCH
_RPW = _N // _NW
_NBUF = 4


def _main_body(a_ref, b_ref, na_ref, nb_ref, vd_ref, cd_ref, vc_ref, cc_ref,
               *, batch, k, klanes):
    g = pl.program_id(0)
    na = jnp.maximum(na_ref[...][:, 0:1], 1e-12)
    nb = jnp.maximum(nb_ref[...][:, 0:1], 1e-12)
    a = (a_ref[...] / na).astype(jnp.bfloat16)
    b = (b_ref[...] / nb).astype(jnp.bfloat16)
    simt = jax.lax.dot_general(
        b, a, (((1,), (1,)), ((), ())),
        preferred_element_type=jnp.float32,
    )
    ngrp = batch // klanes
    slot = jax.lax.broadcasted_iota(jnp.int32, (klanes, batch), 0)
    vs = [simt[t * klanes:(t + 1) * klanes, :] for t in range(ngrp)]
    cs = [slot + t * klanes for t in range(ngrp)]
    for rnd in range(ngrp):
        for i in range(rnd % 2, ngrp - 1, 2):
            j = i + 1
            sw = vs[j] > vs[i]
            vs[i], vs[j] = (jnp.where(sw, vs[j], vs[i]),
                            jnp.where(sw, vs[i], vs[j]))
            cs[i], cs[j] = (jnp.where(sw, cs[j], cs[i]),
                            jnp.where(sw, cs[i], cs[j]))
    ms, cols = [], []
    for t in range(k):
        m = jnp.max(vs[0], axis=0, keepdims=True)
        eq = vs[0] == m
        colsel = jnp.min(jnp.where(eq, cs[0], batch), axis=0, keepdims=True)
        selmask = eq & (cs[0] == colsel)
        ms.append(m)
        cols.append(colsel)
        for lv in range(ngrp - 1):
            vs[lv] = jnp.where(selmask, vs[lv + 1], vs[lv])
            cs[lv] = jnp.where(selmask, cs[lv + 1], cs[lv])
        vs[ngrp - 1] = jnp.where(selmask, _NEG, vs[ngrp - 1])
    valt = jnp.concatenate(
        ms + [jnp.zeros((klanes - k, batch), jnp.float32)], axis=0)
    colt = jnp.concatenate(
        cols + [jnp.zeros((klanes - k, batch), jnp.int32)], axis=0)
    val_acc = valt.T
    idx_acc = colt.T

    @pl.when(g < NUM_DOMAINS + 1)
    def _():
        vd_ref[0] = val_acc
        cd_ref[0] = idx_acc

    @pl.when(g >= NUM_DOMAINS)
    def _():
        vc_ref[0] = val_acc
        cc_ref[0] = idx_acc


def _sc_assemble_body(vd_hbm, cd_hbm, vc_hbm, cc_hbm, adj_hbm,
                      va, ca, vb, cb, rowbuf, s0, s1, s2, s3):
    sems = (s0, s1, s2, s3)
    wid = lax.axis_index("s") * 2 + lax.axis_index("c")
    base = wid * _RPW

    pltpu.sync_copy(vd_hbm.at[pl.ds(base, _RPW)], va)
    pltpu.sync_copy(cd_hbm.at[pl.ds(base, _RPW)], ca)
    pltpu.sync_copy(vc_hbm.at[pl.ds(base, _RPW)], vb)
    pltpu.sync_copy(cc_hbm.at[pl.ds(base, _RPW)], cb)

    zero_v = jnp.zeros((_L,), jnp.float32)

    def _zb(z, c):
        rowbuf[pl.ds(z * _L, _L)] = zero_v
        return c

    lax.fori_loop(0, _NBUF * _N // _L, _zb, 0)

    iota = lax.iota(jnp.int32, _L)
    m_hi = iota < (K - _L)

    def _sources(krow):
        rg = base + krow
        off_a = lax.shift_left(lax.shift_right_logical(rg, 10), 10)
        return rg, off_a

    def _scatter_row(krow, u, values):
        rg, off_a = _sources(krow)
        rb = rowbuf.at[pl.ds(u * _N, _N)]
        for half in range(2):
            msk = None if half == 0 else m_hi
            sl = pl.ds(half * _L, _L)
            ia = ca[krow, sl] + (off_a + u * _N)
            ib = cb[krow, sl] + (NUM_DOMAINS * BATCH + u * _N)
            if values:
                plsc.store_scatter(rowbuf, [ia], va[krow, sl], mask=msk)
                plsc.store_scatter(rowbuf, [ib], vb[krow, sl], mask=msk)
            else:
                plsc.store_scatter(rowbuf, [ia], zero_v, mask=msk)
                plsc.store_scatter(rowbuf, [ib], zero_v, mask=msk)
        return rg, rb

    def _group(gi, c):
        for u in range(_NBUF):
            krow = gi * _NBUF + u

            @pl.when(gi > 0)
            def _():
                kprev = krow - _NBUF
                rgp, _ = _sources(kprev)
                rbp = rowbuf.at[pl.ds(u * _N, _N)]
                pltpu.make_async_copy(rbp, adj_hbm.at[rgp], sems[u]).wait()
                _scatter_row(kprev, u, values=False)

            rg, rb = _scatter_row(krow, u, values=True)
            pltpu.async_copy(rb, adj_hbm.at[rg], sems[u])
        return c

    lax.fori_loop(0, _RPW // _NBUF, _group, 0)
    for u in range(_NBUF):
        kprev = _RPW - _NBUF + u
        rgp, _ = _sources(kprev)
        rbp = rowbuf.at[pl.ds(u * _N, _N)]
        pltpu.make_async_copy(rbp, adj_hbm.at[rgp], sems[u]).wait()


def _build(nd, batch, feat, k):
    nb = nd + 1
    n = nb * batch
    klanes = 128

    def _a_map(g):
        return jnp.where(g < nb, g, g - nb), 0

    def _b_map(g):
        return jnp.where(g < nb, g, nd), 0

    def _diag_map(g):
        return jnp.minimum(g, nd), 0, 0

    def _cross_map(g):
        return jnp.where(g <= nd, nd, g - nb), 0, 0

    main = pl.pallas_call(
        functools.partial(_main_body, batch=batch, k=k, klanes=klanes),
        grid=(nb + nd,),
        in_specs=[
            pl.BlockSpec((batch, feat), _a_map),
            pl.BlockSpec((batch, feat), _b_map),
            pl.BlockSpec((batch, 128), lambda g: (_a_map(g)[0], 0)),
            pl.BlockSpec((batch, 128), lambda g: (_b_map(g)[0], 0)),
        ],
        out_specs=[
            pl.BlockSpec((1, batch, klanes), _diag_map),
            pl.BlockSpec((1, batch, klanes), _diag_map),
            pl.BlockSpec((1, batch, klanes), _cross_map),
            pl.BlockSpec((1, batch, klanes), _cross_map),
        ],
        out_shape=[
            jax.ShapeDtypeStruct((nb, batch, klanes), jnp.float32),
            jax.ShapeDtypeStruct((nb, batch, klanes), jnp.int32),
            jax.ShapeDtypeStruct((nb, batch, klanes), jnp.float32),
            jax.ShapeDtypeStruct((nb, batch, klanes), jnp.int32),
        ],
    )

    mesh = plsc.VectorSubcoreMesh(core_axis_name="c", subcore_axis_name="s")
    assemble = functools.partial(
        pl.kernel,
        mesh=mesh,
        compiler_params=pltpu.CompilerParams(needs_layout_passes=False),
        out_type=jax.ShapeDtypeStruct((n, n), jnp.float32),
        scratch_types=[
            pltpu.VMEM((_RPW, 128), jnp.float32),
            pltpu.VMEM((_RPW, 128), jnp.int32),
            pltpu.VMEM((_RPW, 128), jnp.float32),
            pltpu.VMEM((_RPW, 128), jnp.int32),
            pltpu.VMEM((_NBUF * n,), jnp.float32),
            pltpu.SemaphoreType.DMA,
            pltpu.SemaphoreType.DMA,
            pltpu.SemaphoreType.DMA,
            pltpu.SemaphoreType.DMA,
        ],
    )(_sc_assemble_body)

    def fn(x):
        nrm = jnp.broadcast_to(
            jnp.linalg.norm(x, axis=1, keepdims=True), (n, 128))
        vd, cd, vc, cc = main(x, x, nrm, nrm)
        adj = assemble(
            vd.reshape(n, klanes), cd.reshape(n, klanes),
            vc.reshape(n, klanes), cc.reshape(n, klanes),
        )
        return adj, cd[:, :, :k]

    return fn


_kernel_impl = _build(NUM_DOMAINS, BATCH, FEAT, K)


def kernel(input):
    return _kernel_impl(input)

# --- scband reference (transcript-rebuilt; emitter-appended) ---
"""Pipeline reference for scband-adjacency-layer-52020643889233 (READ-ONLY COPY).

The authoritative reference and input builder live on the scoring server;
editing this copy changes nothing except your own understanding.
"""

import jax, jax.numpy as jnp
import numpy as np

NUM_DOMAINS = 4
BATCH = 1024
K = 20
FEAT = 1024


def _normalize(x, eps=1e-12):
    # matches torch.nn.functional.normalize(p=2, dim=1)
    n = jnp.linalg.norm(x, axis=1, keepdims=True)
    return x / jnp.maximum(n, eps)


def _topk_neighbor(sim, k):
    vals, idx = jax.lax.top_k(sim, k)
    rows = jnp.arange(sim.shape[0])[:, None]
    neigh = jnp.zeros_like(sim).at[rows, idx].set(vals)
    return neigh, idx


def setup_inputs(seed: int = 0) -> dict:
    key = jax.random.key(seed)
    inp = jax.random.normal(key, ((NUM_DOMAINS + 1) * BATCH, FEAT), dtype=jnp.float32)
    return {"input": inp}


def reference(input):
    N = (NUM_DOMAINS + 1) * BATCH
    adj = jnp.zeros((N, N), dtype=input.dtype)
    j = NUM_DOMAINS
    x_j_norm = _normalize(input[j * BATCH:(j + 1) * BATCH, :])
    # cross-domain blocks: each source domain vs target domain
    for i in range(NUM_DOMAINS):
        x_i_norm = _normalize(input[i * BATCH:(i + 1) * BATCH, :])
        sim = x_i_norm @ x_j_norm.T
        neigh, _ = _topk_neighbor(sim, K)
        adj = adj.at[i * BATCH:(i + 1) * BATCH, j * BATCH:(j + 1) * BATCH].set(neigh)
    # self-similarity diagonal blocks
    topk_ngh = []
    for i in range(NUM_DOMAINS + 1):
        x_i_norm = _normalize(input[i * BATCH:(i + 1) * BATCH, :])
        sim = x_i_norm @ x_i_norm.T
        neigh, idx = _topk_neighbor(sim, K)
        adj = adj.at[i * BATCH:(i + 1) * BATCH, i * BATCH:(i + 1) * BATCH].set(neigh)
        topk_ngh.append(idx)
    return adj, jnp.stack(topk_ngh)

if __name__ == "__main__":
    import jax
    _d = setup_inputs()
    print(jax.jit(kernel)(*tuple(_d.values())))

</pallas_src>

<mosaic_0001>
#map = affine_map<(d0, d1) -> (0, 0)>
module attributes {stable_mosaic.version = 14 : i64} {
  func.func @_sc_assemble_body(%arg0: i32, %arg1: i32, %arg2: memref<5120x128xf32, #tpu.memory_space<hbm>>, %arg3: memref<5120x128xi32, #tpu.memory_space<hbm>>, %arg4: memref<5120x128xf32, #tpu.memory_space<hbm>>, %arg5: memref<5120x128xi32, #tpu.memory_space<hbm>>, %arg6: memref<5120x5120xf32, #tpu.memory_space<hbm>>, %arg7: memref<160x128xf32, #tpu.memory_space<vmem>>, %arg8: memref<160x128xi32, #tpu.memory_space<vmem>>, %arg9: memref<160x128xf32, #tpu.memory_space<vmem>>, %arg10: memref<160x128xi32, #tpu.memory_space<vmem>>, %arg11: memref<20480xf32, #tpu.memory_space<vmem>>, %arg12: memref<!tpu.dma_semaphore, #tpu.memory_space<semaphore_mem>>, %arg13: memref<!tpu.dma_semaphore, #tpu.memory_space<semaphore_mem>>, %arg14: memref<!tpu.dma_semaphore, #tpu.memory_space<semaphore_mem>>, %arg15: memref<!tpu.dma_semaphore, #tpu.memory_space<semaphore_mem>>) attributes {dimension_semantics = [#tpu.dimension_semantics<core_parallel>, #tpu.dimension_semantics<subcore_parallel>], iteration_bounds = array<i64: 2, 16>, scalar_prefetch = 0 : i64, scratch_operands = 9 : i64, tpu.core_type = #tpu.core_type<sc_vector_subcore>, window_params = [{transform_indices = #map}, {transform_indices = #map}, {transform_indices = #map}, {transform_indices = #map}, {transform_indices = #map}]} {
    %mul3A = arith.constant 2 : i32
    %mul3A_0 = arith.muli %arg1, %mul3A : i32
    %add3A = arith.addi %mul3A_0, %arg0 : i32
    %mul3A_1 = arith.constant 160 : i32
    %mul3A_2 = arith.muli %add3A, %mul3A_1 : i32
    "tpu.region"() ({
      %run_scoped3A = tpu.sem_alloc : memref<!tpu.dma_semaphore, #tpu.memory_space<semaphore_mem>>
      %dma_start3A = arith.constant 0 : i32
      %dma_start3A_78 = tpu.memref_slice %arg2[%mul3A_2, %dma_start3A] : memref<5120x128xf32, #tpu.memory_space<hbm>> -> memref<160x128xf32, #tpu.memory_space<hbm>>
      %dma_start3A_79 = arith.constant 0 : i32
      %dma_start3A_80 = tpu.memref_slice %arg2[%mul3A_2, %dma_start3A_79] : memref<5120x128xf32, #tpu.memory_space<hbm>> -> memref<160x128xf32, #tpu.memory_space<hbm>>
      tpu.enqueue_dma source(%dma_start3A_80 : memref<160x128xf32, #tpu.memory_space<hbm>>) target(%arg7 : memref<160x128xf32, #tpu.memory_space<vmem>>) target_semaphore(%run_scoped3A : memref<!tpu.dma_semaphore, #tpu.memory_space<semaphore_mem>>)
      %dma_wait3A_81 = arith.constant 0 : i32
      %dma_wait3A_82 = tpu.memref_slice %arg2[%mul3A_2, %dma_wait3A_81] : memref<5120x128xf32, #tpu.memory_space<hbm>> -> memref<160x128xf32, #tpu.memory_space<hbm>>
      %dma_wait3A_83 = arith.constant 0 : i32
      %dma_wait3A_84 = tpu.memref_slice %arg2[%mul3A_2, %dma_wait3A_83] : memref<5120x128xf32, #tpu.memory_space<hbm>> -> memref<160x128xf32, #tpu.memory_space<hbm>>
      tpu.wait_dma2 semaphore(%run_scoped3A : memref<!tpu.dma_semaphore, #tpu.memory_space<semaphore_mem>>) src(%dma_wait3A_84 : memref<160x128xf32, #tpu.memory_space<hbm>>) dst(%arg7 : memref<160x128xf32, #tpu.memory_space<vmem>>)
      tpu.yield
    }) : () -> ()
    "tpu.region"() ({
      %run_scoped3A = tpu.sem_alloc : memref<!tpu.dma_semaphore, #tpu.memory_space<semaphore_mem>>
      %dma_start3A = arith.constant 0 : i32
      %dma_start3A_78 = tpu.memref_slice %arg3[%mul3A_2, %dma_start3A] : memref<5120x128xi32, #tpu.memory_space<hbm>> -> memref<160x128xi32, #tpu.memory_space<hbm>>
      %dma_start3A_79 = arith.constant 0 : i32
      %dma_start3A_80 = tpu.memref_slice %arg3[%mul3A_2, %dma_start3A_79] : memref<5120x128xi32, #tpu.memory_space<hbm>> -> memref<160x128xi32, #tpu.memory_space<hbm>>
      tpu.enqueue_dma source(%dma_start3A_80 : memref<160x128xi32, #tpu.memory_space<hbm>>) target(%arg8 : memref<160x128xi32, #tpu.memory_space<vmem>>) target_semaphore(%run_scoped3A : memref<!tpu.dma_semaphore, #tpu.memory_space<semaphore_mem>>)
      %dma_wait3A_81 = arith.constant 0 : i32
      %dma_wait3A_82 = tpu.memref_slice %arg3[%mul3A_2, %dma_wait3A_81] : memref<5120x128xi32, #tpu.memory_space<hbm>> -> memref<160x128xi32, #tpu.memory_space<hbm>>
      %dma_wait3A_83 = arith.constant 0 : i32
      %dma_wait3A_84 = tpu.memref_slice %arg3[%mul3A_2, %dma_wait3A_83] : memref<5120x128xi32, #tpu.memory_space<hbm>> -> memref<160x128xi32, #tpu.memory_space<hbm>>
      tpu.wait_dma2 semaphore(%run_scoped3A : memref<!tpu.dma_semaphore, #tpu.memory_space<semaphore_mem>>) src(%dma_wait3A_84 : memref<160x128xi32, #tpu.memory_space<hbm>>) dst(%arg8 : memref<160x128xi32, #tpu.memory_space<vmem>>)
      tpu.yield
    }) : () -> ()
    "tpu.region"() ({
      %run_scoped3A = tpu.sem_alloc : memref<!tpu.dma_semaphore, #tpu.memory_space<semaphore_mem>>
      %dma_start3A = arith.constant 0 : i32
      %dma_start3A_78 = tpu.memref_slice %arg4[%mul3A_2, %dma_start3A] : memref<5120x128xf32, #tpu.memory_space<hbm>> -> memref<160x128xf32, #tpu.memory_space<hbm>>
      %dma_start3A_79 = arith.constant 0 : i32
      %dma_start3A_80 = tpu.memref_slice %arg4[%mul3A_2, %dma_start3A_79] : memref<5120x128xf32, #tpu.memory_space<hbm>> -> memref<160x128xf32, #tpu.memory_space<hbm>>
      tpu.enqueue_dma source(%dma_start3A_80 : memref<160x128xf32, #tpu.memory_space<hbm>>) target(%arg9 : memref<160x128xf32, #tpu.memory_space<vmem>>) target_semaphore(%run_scoped3A : memref<!tpu.dma_semaphore, #tpu.memory_space<semaphore_mem>>)
      %dma_wait3A_81 = arith.constant 0 : i32
      %dma_wait3A_82 = tpu.memref_slice %arg4[%mul3A_2, %dma_wait3A_81] : memref<5120x128xf32, #tpu.memory_space<hbm>> -> memref<160x128xf32, #tpu.memory_space<hbm>>
      %dma_wait3A_83 = arith.constant 0 : i32
      %dma_wait3A_84 = tpu.memref_slice %arg4[%mul3A_2, %dma_wait3A_83] : memref<5120x128xf32, #tpu.memory_space<hbm>> -> memref<160x128xf32, #tpu.memory_space<hbm>>
      tpu.wait_dma2 semaphore(%run_scoped3A : memref<!tpu.dma_semaphore, #tpu.memory_space<semaphore_mem>>) src(%dma_wait3A_84 : memref<160x128xf32, #tpu.memory_space<hbm>>) dst(%arg9 : memref<160x128xf32, #tpu.memory_space<vmem>>)
      tpu.yield
    }) : () -> ()
    "tpu.region"() ({
      %run_scoped3A = tpu.sem_alloc : memref<!tpu.dma_semaphore, #tpu.memory_space<semaphore_mem>>
      %dma_start3A = arith.constant 0 : i32
      %dma_start3A_78 = tpu.memref_slice %arg5[%mul3A_2, %dma_start3A] : memref<5120x128xi32, #tpu.memory_space<hbm>> -> memref<160x128xi32, #tpu.memory_space<hbm>>
      %dma_start3A_79 = arith.constant 0 : i32
      %dma_start3A_80 = tpu.memref_slice %arg5[%mul3A_2, %dma_start3A_79] : memref<5120x128xi32, #tpu.memory_space<hbm>> -> memref<160x128xi32, #tpu.memory_space<hbm>>
      tpu.enqueue_dma source(%dma_start3A_80 : memref<160x128xi32, #tpu.memory_space<hbm>>) target(%arg10 : memref<160x128xi32, #tpu.memory_space<vmem>>) target_semaphore(%run_scoped3A : memref<!tpu.dma_semaphore, #tpu.memory_space<semaphore_mem>>)
      %dma_wait3A_81 = arith.constant 0 : i32
      %dma_wait3A_82 = tpu.memref_slice %arg5[%mul3A_2, %dma_wait3A_81] : memref<5120x128xi32, #tpu.memory_space<hbm>> -> memref<160x128xi32, #tpu.memory_space<hbm>>
      %dma_wait3A_83 = arith.constant 0 : i32
      %dma_wait3A_84 = tpu.memref_slice %arg5[%mul3A_2, %dma_wait3A_83] : memref<5120x128xi32, #tpu.memory_space<hbm>> -> memref<160x128xi32, #tpu.memory_space<hbm>>
      tpu.wait_dma2 semaphore(%run_scoped3A : memref<!tpu.dma_semaphore, #tpu.memory_space<semaphore_mem>>) src(%dma_wait3A_84 : memref<160x128xi32, #tpu.memory_space<hbm>>) dst(%arg10 : memref<160x128xi32, #tpu.memory_space<vmem>>)
      tpu.yield
    }) : () -> ()
    %broadcast_in_dim3A = arith.constant 0.000000e+00 : f32
    %broadcast_in_dim3A_3 = vector.broadcast %broadcast_in_dim3A : f32 to vector<16xf32>
    %scan3A = arith.constant 0 : i32
    %scan3A_4 = arith.constant 0 : i32
    %scan3A_5 = arith.constant 1280 : i32
    %scan3A_6 = arith.addi %scan3A_4, %scan3A_5 : i32
    %scan3A_7 = arith.constant 1 : i32
    scf.for %scan3A_78 = %scan3A_4 to %scan3A_6 step %scan3A_7  : i32 {
      %mul3A_79 = arith.constant 16 : i32
      %mul3A_80 = arith.muli %scan3A_78, %mul3A_79 : i32
      %swap3A = arith.index_cast %mul3A_80 : i32 to index
      %swap3A_81 = tpu.vector_load %arg11[%swap3A] {strides = array<i32>} : memref<20480xf32, #tpu.memory_space<vmem>>, vector<16xf32>,
      tpu.vector_store %arg11[%swap3A], %broadcast_in_dim3A_3 {strides = array<i32>} : memref<20480xf32, #tpu.memory_space<vmem>>, vector<16xf32>,
    }
    %scan3A_8 = arith.constant 1280 : i32
    %iota3A = tpu.iota {dimensions = array<i32: 0>} : vector<16xi32>
    %lt3A = arith.constant 4 : i32
    %lt3A_9 = vector.broadcast %lt3A : i32 to vector<16xi32>
    %lt3A_10 = arith.cmpi slt, %iota3A, %lt3A_9 : vector<16xi32>
    %scan3A_11 = arith.constant 0 : i32
    %scan3A_12 = arith.constant 0 : i32
    %scan3A_13 = arith.constant 40 : i32
    %scan3A_14 = arith.addi %scan3A_12, %scan3A_13 : i32
    %scan3A_15 = arith.constant 1 : i32
    scf.for %scan3A_78 = %scan3A_12 to %scan3A_14 step %scan3A_15  : i32 {
      %mul3A_79 = arith.constant 4 : i32
      %mul3A_80 = arith.muli %scan3A_78, %mul3A_79 : i32
      %add3A_81 = arith.constant 0 : i32
      %add3A_82 = arith.addi %mul3A_80, %add3A_81 : i32
      %gt3A = arith.constant 0 : i32
      %gt3A_83 = arith.cmpi sgt, %scan3A_78, %gt3A : i32
      %convert_element_type3A = arith.extui %gt3A_83 : i1 to i32
      %cond3A = arith.constant 0 : i32
      %cond3A_84 = arith.cmpi ne, %convert_element_type3A, %cond3A : i32
      scf.if %cond3A_84 {
        %sub3A = arith.constant 4 : i32
        %sub3A_322 = arith.subi %add3A_82, %sub3A : i32
        %add3A_323 = arith.addi %mul3A_2, %sub3A_322 : i32
        %shift_right_logical3A_324 = arith.constant 10 : i32
        %shift_right_logical3A_325 = arith.shrui %add3A_323, %shift_right_logical3A_324 : i32
        %shift_left3A_326 = arith.constant 10 : i32
        %shift_left3A_327 = arith.shli %shift_right_logical3A_325, %shift_left3A_326 : i32
        %dma_wait3A_328 = arith.constant 0 : i32
        %dma_wait3A_329 = tpu.memref_slice %arg11[%dma_wait3A_328] : memref<20480xf32, #tpu.memory_space<vmem>> -> memref<5120xf32, #tpu.memory_space<vmem>>
        %dma_wait3A_330 = arith.constant 0 : i32
        %dma_wait3A_331 = tpu.memref_slice %arg6[%add3A_323, %dma_wait3A_330] : memref<5120x5120xf32, #tpu.memory_space<hbm>> -> memref<1x5120xf32, #tpu.memory_space<hbm>>
        %dma_wait3A_332 = tpu.memref_squeeze %dma_wait3A_331 : memref<1x5120xf32, #tpu.memory_space<hbm>> -> memref<5120xf32, #tpu.memory_space<hbm>>
        %dma_wait3A_333 = arith.constant 0 : i32
        %dma_wait3A_334 = tpu.memref_slice %arg6[%add3A_323, %dma_wait3A_333] : memref<5120x5120xf32, #tpu.memory_space<hbm>> -> memref<1x5120xf32, #tpu.memory_space<hbm>>
        %dma_wait3A_335 = tpu.memref_squeeze %dma_wait3A_334 : memref<1x5120xf32, #tpu.memory_space<hbm>> -> memref<5120xf32, #tpu.memory_space<hbm>>
        %dma_wait3A_336 = arith.constant 0 : i32
        %dma_wait3A_337 = tpu.memref_slice %arg11[%dma_wait3A_336] : memref<20480xf32, #tpu.memory_space<vmem>> -> memref<5120xf32, #tpu.memory_space<vmem>>
        tpu.wait_dma2 semaphore(%arg12 : memref<!tpu.dma_semaphore, #tpu.memory_space<semaphore_mem>>) src(%dma_wait3A_337 : memref<5120xf32, #tpu.memory_space<vmem>>) dst(%dma_wait3A_335 : memref<5120xf32, #tpu.memory_space<hbm>>)
        %add3A_338 = arith.addi %mul3A_2, %sub3A_322 : i32
        %shift_right_logical3A_339 = arith.constant 10 : i32
        %shift_right_logical3A_340 = arith.shrui %add3A_338, %shift_right_logical3A_339 : i32
        %shift_left3A_341 = arith.constant 10 : i32
        %shift_left3A_342 = arith.shli %shift_right_logical3A_340, %shift_left3A_341 : i32
        %get3A_343 = arith.index_cast %sub3A_322 : i32 to index
        %get3A_344 = arith.constant 0 : index
        %get3A_345 = tpu.vector_load %arg8[%get3A_343, %get3A_344] {strides = array<i32>} : memref<160x128xi32, #tpu.memory_space<vmem>>, vector<16xi32>,
        %add3A_346 = arith.constant 0 : i32
        %add3A_347 = arith.addi %shift_left3A_342, %add3A_346 : i32
        %add3A_348 = vector.broadcast %add3A_347 : i32 to vector<16xi32>
        %add3A_349 = arith.addi %get3A_345, %add3A_348 : vector<16xi32>
        %get3A_350 = arith.index_cast %sub3A_322 : i32 to index
        %get3A_351 = arith.constant 0 : index
        %get3A_352 = tpu.vector_load %arg10[%get3A_350, %get3A_351] {strides = array<i32>} : memref<160x128xi32, #tpu.memory_space<vmem>>, vector<16xi32>,
        %add3A_353 = arith.constant 4096 : i32
        %add3A_354 = vector.broadcast %add3A_353 : i32 to vector<16xi32>
        %add3A_355 = arith.addi %get3A_352, %add3A_354 : vector<16xi32>
        tpu.vector_store_idx %arg11[%add3A_349], %broadcast_in_dim3A_3 : memref<20480xf32, #tpu.memory_space<vmem>>[vector<16xi32>], vector<16xf32>,
        tpu.vector_store_idx %arg11[%add3A_355], %broadcast_in_dim3A_3 : memref<20480xf32, #tpu.memory_space<vmem>>[vector<16xi32>], vector<16xf32>,
        %get3A_356 = arith.index_cast %sub3A_322 : i32 to index
        %get3A_357 = arith.constant 16 : index
        %get3A_358 = tpu.vector_load %arg8[%get3A_356, %get3A_357] {strides = array<i32>} : memref<160x128xi32, #tpu.memory_space<vmem>>, vector<16xi32>,
        %add3A_359 = arith.constant 0 : i32
        %add3A_360 = arith.addi %shift_left3A_342, %add3A_359 : i32
        %add3A_361 = vector.broadcast %add3A_360 : i32 to vector<16xi32>
        %add3A_362 = arith.addi %get3A_358, %add3A_361 : vector<16xi32>
        %get3A_363 = arith.index_cast %sub3A_322 : i32 to index
        %get3A_364 = arith.constant 16 : index
        %get3A_365 = tpu.vector_load %arg10[%get3A_363, %get3A_364] {strides = array<i32>} : memref<160x128xi32, #tpu.memory_space<vmem>>, vector<16xi32>,
        %add3A_366 = arith.constant 4096 : i32
        %add3A_367 = vector.broadcast %add3A_366 : i32 to vector<16xi32>
        %add3A_368 = arith.addi %get3A_365, %add3A_367 : vector<16xi32>
        tpu.vector_store_idx %arg11[%add3A_362], %broadcast_in_dim3A_3 masked %lt3A_10 : memref<20480xf32, #tpu.memory_space<vmem>>[vector<16xi32>], vector<16xf32>, vector<16xi1>
        tpu.vector_store_idx %arg11[%add3A_368], %broadcast_in_dim3A_3 masked %lt3A_10 : memref<20480xf32, #tpu.memory_space<vmem>>[vector<16xi32>], vector<16xf32>, vector<16xi1>
      } else {
      }
      %add3A_85 = arith.addi %mul3A_2, %add3A_82 : i32
      %shift_right_logical3A_86 = arith.constant 10 : i32
      %shift_right_logical3A_87 = arith.shrui %add3A_85, %shift_right_logical3A_86 : i32
      %shift_left3A_88 = arith.constant 10 : i32
      %shift_left3A_89 = arith.shli %shift_right_logical3A_87, %shift_left3A_88 : i32
      %get3A = arith.index_cast %add3A_82 : i32 to index
      %get3A_90 = arith.constant 0 : index
      %get3A_91 = tpu.vector_load %arg8[%get3A, %get3A_90] {strides = array<i32>} : memref<160x128xi32, #tpu.memory_space<vmem>>, vector<16xi32>,
      %add3A_92 = arith.constant 0 : i32
      %add3A_93 = arith.addi %shift_left3A_89, %add3A_92 : i32
      %add3A_94 = vector.broadcast %add3A_93 : i32 to vector<16xi32>
      %add3A_95 = arith.addi %get3A_91, %add3A_94 : vector<16xi32>
      %get3A_96 = arith.index_cast %add3A_82 : i32 to index
      %get3A_97 = arith.constant 0 : index
      %get3A_98 = tpu.vector_load %arg10[%get3A_96, %get3A_97] {strides = array<i32>} : memref<160x128xi32, #tpu.memory_space<vmem>>, vector<16xi32>,
      %add3A_99 = arith.constant 4096 : i32
      %add3A_100 = vector.broadcast %add3A_99 : i32 to vector<16xi32>
      %add3A_101 = arith.addi %get3A_98, %add3A_100 : vector<16xi32>
      %get3A_102 = arith.index_cast %add3A_82 : i32 to index
      %get3A_103 = arith.constant 0 : index
      %get3A_104 = tpu.vector_load %arg7[%get3A_102, %get3A_103] {strides = array<i32>} : memref<160x128xf32, #tpu.memory_space<vmem>>, vector<16xf32>,
      tpu.vector_store_idx %arg11[%add3A_95], %get3A_104 : memref<20480xf32, #tpu.memory_space<vmem>>[vector<16xi32>], vector<16xf32>,
      %get3A_105 = arith.index_cast %add3A_82 : i32 to index
      %get3A_106 = arith.constant 0 : index
      %get3A_107 = tpu.vector_load %arg9[%get3A_105, %get3A_106] {strides = array<i32>} : memref<160x128xf32, #tpu.memory_space<vmem>>, vector<16xf32>,
      tpu.vector_store_idx %arg11[%add3A_101], %get3A_107 : memref<20480xf32, #tpu.memory_space<vmem>>[vector<16xi32>], vector<16xf32>,
      %get3A_108 = arith.index_cast %add3A_82 : i32 to index
      %get3A_109 = arith.constant 16 : index
      %get3A_110 = tpu.vector_load %arg8[%get3A_108, %get3A_109] {strides = array<i32>} : memref<160x128xi32, #tpu.memory_space<vmem>>, vector<16xi32>,
      %add3A_111 = arith.constant 0 : i32
      %add3A_112 = arith.addi %shift_left3A_89, %add3A_111 : i32
      %add3A_113 = vector.broadcast %add3A_112 : i32 to vector<16xi32>
      %add3A_114 = arith.addi %get3A_110, %add3A_113 : vector<16xi32>
      %get3A_115 = arith.index_cast %add3A_82 : i32 to index
      %get3A_116 = arith.constant 16 : index
      %get3A_117 = tpu.vector_load %arg10[%get3A_115, %get3A_116] {strides = array<i32>} : memref<160x128xi32, #tpu.memory_space<vmem>>, vector<16xi32>,
      %add3A_118 = arith.constant 4096 : i32
      %add3A_119 = vector.broadcast %add3A_118 : i32 to vector<16xi32>
      %add3A_120 = arith.addi %get3A_117, %add3A_119 : vector<16xi32>
      %get3A_121 = arith.index_cast %add3A_82 : i32 to index
      %get3A_122 = arith.constant 16 : index
      %get3A_123 = tpu.vector_load %arg7[%get3A_121, %get3A_122] {strides = array<i32>} : memref<160x128xf32, #tpu.memory_space<vmem>>, vector<16xf32>,
      tpu.vector_store_idx %arg11[%add3A_114], %get3A_123 masked %lt3A_10 : memref<20480xf32, #tpu.memory_space<vmem>>[vector<16xi32>], vector<16xf32>, vector<16xi1>
      %get3A_124 = arith.index_cast %add3A_82 : i32 to index
      %get3A_125 = arith.constant 16 : index
      %get3A_126 = tpu.vector_load %arg9[%get3A_124, %get3A_125] {strides = array<i32>} : memref<160x128xf32, #tpu.memory_space<vmem>>, vector<16xf32>,
      tpu.vector_store_idx %arg11[%add3A_120], %get3A_126 masked %lt3A_10 : memref<20480xf32, #tpu.memory_space<vmem>>[vector<16xi32>], vector<16xf32>, vector<16xi1>
      %dma_start3A = arith.constant 0 : i32
      %dma_start3A_127 = tpu.memref_slice %arg11[%dma_start3A] : memref<20480xf32, #tpu.memory_space<vmem>> -> memref<5120xf32, #tpu.memory_space<vmem>>
      %dma_start3A_128 = arith.constant 0 : i32
      %dma_start3A_129 = tpu.memref_slice %arg6[%add3A_85, %dma_start3A_128] : memref<5120x5120xf32, #tpu.memory_space<hbm>> -> memref<1x5120xf32, #tpu.memory_space<hbm>>
      %dma_start3A_130 = tpu.memref_squeeze %dma_start3A_129 : memref<1x5120xf32, #tpu.memory_space<hbm>> -> memref<5120xf32, #tpu.memory_space<hbm>>
      %dma_start3A_131 = arith.constant 0 : i32
      %dma_start3A_132 = tpu.memref_slice %arg6[%add3A_85, %dma_start3A_131] : memref<5120x5120xf32, #tpu.memory_space<hbm>> -> memref<1x5120xf32, #tpu.memory_space<hbm>>
      %dma_start3A_133 = tpu.memref_squeeze %dma_start3A_132 : memref<1x5120xf32, #tpu.memory_space<hbm>> -> memref<5120xf32, #tpu.memory_space<hbm>>
      %dma_start3A_134 = arith.constant 0 : i32
      %dma_start3A_135 = tpu.memref_slice %arg11[%dma_start3A_134] : memref<20480xf32, #tpu.memory_space<vmem>> -> memref<5120xf32, #tpu.memory_space<vmem>>
      tpu.enqueue_dma source(%dma_start3A_135 : memref<5120xf32, #tpu.memory_space<vmem>>) target(%dma_start3A_133 : memref<5120xf32, #tpu.memory_space<hbm>>) target_semaphore(%arg12 : memref<!tpu.dma_semaphore, #tpu.memory_space<semaphore_mem>>)
      %mul3A_136 = arith.constant 4 : i32
      %mul3A_137 = arith.muli %scan3A_78, %mul3A_136 : i32
      %add3A_138 = arith.constant 1 : i32
      %add3A_139 = arith.addi %mul3A_137, %add3A_138 : i32
      %gt3A_140 = arith.constant 0 : i32
      %gt3A_141 = arith.cmpi sgt, %scan3A_78, %gt3A_140 : i32
      %convert_element_type3A_142 = arith.extui %gt3A_141 : i1 to i32
      %cond3A_143 = arith.constant 0 : i32
      %cond3A_144 = arith.cmpi ne, %convert_element_type3A_142, %cond3A_143 : i32
      scf.if %cond3A_144 {
        %sub3A = arith.constant 4 : i32
        %sub3A_322 = arith.subi %add3A_139, %sub3A : i32
        %add3A_323 = arith.addi %mul3A_2, %sub3A_322 : i32
        %shift_right_logical3A_324 = arith.constant 10 : i32
        %shift_right_logical3A_325 = arith.shrui %add3A_323, %shift_right_logical3A_324 : i32
        %shift_left3A_326 = arith.constant 10 : i32
        %shift_left3A_327 = arith.shli %shift_right_logical3A_325, %shift_left3A_326 : i32
        %dma_wait3A_328 = arith.constant 5120 : i32
        %dma_wait3A_329 = tpu.memref_slice %arg11[%dma_wait3A_328] : memref<20480xf32, #tpu.memory_space<vmem>> -> memref<5120xf32, #tpu.memory_space<vmem>>
        %dma_wait3A_330 = arith.constant 0 : i32
        %dma_wait3A_331 = tpu.memref_slice %arg6[%add3A_323, %dma_wait3A_330] : memref<5120x5120xf32, #tpu.memory_space<hbm>> -> memref<1x5120xf32, #tpu.memory_space<hbm>>
        %dma_wait3A_332 = tpu.memref_squeeze %dma_wait3A_331 : memref<1x5120xf32, #tpu.memory_space<hbm>> -> memref<5120xf32, #tpu.memory_space<hbm>>
        %dma_wait3A_333 = arith.constant 0 : i32
        %dma_wait3A_334 = tpu.memref_slice %arg6[%add3A_323, %dma_wait3A_333] : memref<5120x5120xf32, #tpu.memory_space<hbm>> -> memref<1x5120xf32, #tpu.memory_space<hbm>>
        %dma_wait3A_335 = tpu.memref_squeeze %dma_wait3A_334 : memref<1x5120xf32, #tpu.memory_space<hbm>> -> memref<5120xf32, #tpu.memory_space<hbm>>
        %dma_wait3A_336 = arith.constant 5120 : i32
        %dma_wait3A_337 = tpu.memref_slice %arg11[%dma_wait3A_336] : memref<20480xf32, #tpu.memory_space<vmem>> -> memref<5120xf32, #tpu.memory_space<vmem>>
        tpu.wait_dma2 semaphore(%arg13 : memref<!tpu.dma_semaphore, #tpu.memory_space<semaphore_mem>>) src(%dma_wait3A_337 : memref<5120xf32, #tpu.memory_space<vmem>>) dst(%dma_wait3A_335 : memref<5120xf32, #tpu.memory_space<hbm>>)
        %add3A_338 = arith.addi %mul3A_2, %sub3A_322 : i32
        %shift_right_logical3A_339 = arith.constant 10 : i32
        %shift_right_logical3A_340 = arith.shrui %add3A_338, %shift_right_logical3A_339 : i32
        %shift_left3A_341 = arith.constant 10 : i32
        %shift_left3A_342 = arith.shli %shift_right_logical3A_340, %shift_left3A_341 : i32
        %get3A_343 = arith.index_cast %sub3A_322 : i32 to index
        %get3A_344 = arith.constant 0 : index
        %get3A_345 = tpu.vector_load %arg8[%get3A_343, %get3A_344] {strides = array<i32>} : memref<160x128xi32, #tpu.memory_space<vmem>>, vector<16xi32>,
        %add3A_346 = arith.constant 5120 : i32
        %add3A_347 = arith.addi %shift_left3A_342, %add3A_346 : i32
        %add3A_348 = vector.broadcast %add3A_347 : i32 to vector<16xi32>
        %add3A_349 = arith.addi %get3A_345, %add3A_348 : vector<16xi32>
        %get3A_350 = arith.index_cast %sub3A_322 : i32 to index
        %get3A_351 = arith.constant 0 : index
        %get3A_352 = tpu.vector_load %arg10[%get3A_350, %get3A_351] {strides = array<i32>} : memref<160x128xi32, #tpu.memory_space<vmem>>, vector<16xi32>,
        %add3A_353 = arith.constant 9216 : i32
        %add3A_354 = vector.broadcast %add3A_353 : i32 to vector<16xi32>
        %add3A_355 = arith.addi %get3A_352, %add3A_354 : vector<16xi32>
        tpu.vector_store_idx %arg11[%add3A_349], %broadcast_in_dim3A_3 : memref<20480xf32, #tpu.memory_space<vmem>>[vector<16xi32>], vector<16xf32>,
        tpu.vector_store_idx %arg11[%add3A_355], %broadcast_in_dim3A_3 : memref<20480xf32, #tpu.memory_space<vmem>>[vector<16xi32>], vector<16xf32>,
        %get3A_356 = arith.index_cast %sub3A_322 : i32 to index
        %get3A_357 = arith.constant 16 : index
        %get3A_358 = tpu.vector_load %arg8[%get3A_356, %get3A_357] {strides = array<i32>} : memref<160x128xi32, #tpu.memory_space<vmem>>, vector<16xi32>,
        %add3A_359 = arith.constant 5120 : i32
        %add3A_360 = arith.addi %shift_left3A_342, %add3A_359 : i32
        %add3A_361 = vector.broadcast %add3A_360 : i32 to vector<16xi32>
        %add3A_362 = arith.addi %get3A_358, %add3A_361 : vector<16xi32>
        %get3A_363 = arith.index_cast %sub3A_322 : i32 to index
        %get3A_364 = arith.constant 16 : index
        %get3A_365 = tpu.vector_load %arg10[%get3A_363, %get3A_364] {strides = array<i32>} : memref<160x128xi32, #tpu.memory_space<vmem>>, vector<16xi32>,
        %add3A_366 = arith.constant 9216 : i32
        %add3A_367 = vector.broadcast %add3A_366 : i32 to vector<16xi32>
        %add3A_368 = arith.addi %get3A_365, %add3A_367 : vector<16xi32>
        tpu.vector_store_idx %arg11[%add3A_362], %broadcast_in_dim3A_3 masked %lt3A_10 : memref<20480xf32, #tpu.memory_space<vmem>>[vector<16xi32>], vector<16xf32>, vector<16xi1>
        tpu.vector_store_idx %arg11[%add3A_368], %broadcast_in_dim3A_3 masked %lt3A_10 : memref<20480xf32, #tpu.memory_space<vmem>>[vector<16xi32>], vector<16xf32>, vector<16xi1>
      } else {
      }
      %add3A_145 = arith.addi %mul3A_2, %add3A_139 : i32
      %shift_right_logical3A_146 = arith.constant 10 : i32
      %shift_right_logical3A_147 = arith.shrui %add3A_145, %shift_right_logical3A_146 : i32
      %shift_left3A_148 = arith.constant 10 : i32
      %shift_left3A_149 = arith.shli %shift_right_logical3A_147, %shift_left3A_148 : i32
      %get3A_150 = arith.index_cast %add3A_139 : i32 to index
      %get3A_151 = arith.constant 0 : index
      %get3A_152 = tpu.vector_load %arg8[%get3A_150, %get3A_151] {strides = array<i32>} : memref<160x128xi32, #tpu.memory_space<vmem>>, vector<16xi32>,
      %add3A_153 = arith.constant 5120 : i32
      %add3A_154 = arith.addi %shift_left3A_149, %add3A_153 : i32
      %add3A_155 = vector.broadcast %add3A_154 : i32 to vector<16xi32>
      %add3A_156 = arith.addi %get3A_152, %add3A_155 : vector<16xi32>
      %get3A_157 = arith.index_cast %add3A_139 : i32 to index
      %get3A_158 = arith.constant 0 : index
      %get3A_159 = tpu.vector_load %arg10[%get3A_157, %get3A_158] {strides = array<i32>} : memref<160x128xi32, #tpu.memory_space<vmem>>, vector<16xi32>,
      %add3A_160 = arith.constant 9216 : i32
      %add3A_161 = vector.broadcast %add3A_160 : i32 to vector<16xi32>
      %add3A_162 = arith.addi %get3A_159, %add3A_161 : vector<16xi32>
      %get3A_163 = arith.index_cast %add3A_139 : i32 to index
      %get3A_164 = arith.constant 0 : index
      %get3A_165 = tpu.vector_load %arg7[%get3A_163, %get3A_164] {strides = array<i32>} : memref<160x128xf32, #tpu.memory_space<vmem>>, vector<16xf32>,
      tpu.vector_store_idx %arg11[%add3A_156], %get3A_165 : memref<20480xf32, #tpu.memory_space<vmem>>[vector<16xi32>], vector<16xf32>,
      %get3A_166 = arith.index_cast %add3A_139 : i32 to index
      %get3A_167 = arith.constant 0 : index
      %get3A_168 = tpu.vector_load %arg9[%get3A_166, %get3A_167] {strides = array<i32>} : memref<160x128xf32, #tpu.memory_space<vmem>>, vector<16xf32>,
      tpu.vector_store_idx %arg11[%add3A_162], %get3A_168 : memref<20480xf32, #tpu.memory_space<vmem>>[vector<16xi32>], vector<16xf32>,
      %get3A_169 = arith.index_cast %add3A_139 : i32 to index
      %get3A_170 = arith.constant 16 : index
      %get3A_171 = tpu.vector_load %arg8[%get3A_169, %get3A_170] {strides = array<i32>} : memref<160x128xi32, #tpu.memory_space<vmem>>, vector<16xi32>,
      %add3A_172 = arith.constant 5120 : i32
      %add3A_173 = arith.addi %shift_left3A_149, %add3A_172 : i32
      %add3A_174 = vector.broadcast %add3A_173 : i32 to vector<16xi32>
      %add3A_175 = arith.addi %get3A_171, %add3A_174 : vector<16xi32>
      %get3A_176 = arith.index_cast %add3A_139 : i32 to index
      %get3A_177 = arith.constant 16 : index
      %get3A_178 = tpu.vector_load %arg10[%get3A_176, %get3A_177] {strides = array<i32>} : memref<160x128xi32, #tpu.memory_space<vmem>>, vector<16xi32>,
      %add3A_179 = arith.constant 9216 : i32
      %add3A_180 = vector.broadcast %add3A_179 : i32 to vector<16xi32>
      %add3A_181 = arith.addi %get3A_178, %add3A_180 : vector<16xi32>
      %get3A_182 = arith.index_cast %add3A_139 : i32 to index
      %get3A_183 = arith.constant 16 : index
      %get3A_184 = tpu.vector_load %arg7[%get3A_182, %get3A_183] {strides = array<i32>} : memref<160x128xf32, #tpu.memory_space<vmem>>, vector<16xf32>,
      tpu.vector_store_idx %arg11[%add3A_175], %get3A_184 masked %lt3A_10 : memref<20480xf32, #tpu.memory_space<vmem>>[vector<16xi32>], vector<16xf32>, vector<16xi1>
      %get3A_185 = arith.index_cast %add3A_139 : i32 to index
      %get3A_186 = arith.constant 16 : index
      %get3A_187 = tpu.vector_load %arg9[%get3A_185, %get3A_186] {strides = array<i32>} : memref<160x128xf32, #tpu.memory_space<vmem>>, vector<16xf32>,
      tpu.vector_store_idx %arg11[%add3A_181], %get3A_187 masked %lt3A_10 : memref<20480xf32, #tpu.memory_space<vmem>>[vector<16xi32>], vector<16xf32>, vector<16xi1>
      %dma_start3A_188 = arith.constant 5120 : i32
      %dma_start3A_189 = tpu.memref_slice %arg11[%dma_start3A_188] : memref<20480xf32, #tpu.memory_space<vmem>> -> memref<5120xf32, #tpu.memory_space<vmem>>
      %dma_start3A_190 = arith.constant 0 : i32
      %dma_start3A_191 = tpu.memref_slice %arg6[%add3A_145, %dma_start3A_190] : memref<5120x5120xf32, #tpu.memory_space<hbm>> -> memref<1x5120xf32, #tpu.memory_space<hbm>>
      %dma_start3A_192 = tpu.memref_squeeze %dma_start3A_191 : memref<1x5120xf32, #tpu.memory_space<hbm>> -> memref<5120xf32, #tpu.memory_space<hbm>>
      %dma_start3A_193 = arith.constant 0 : i32
      %dma_start3A_194 = tpu.memref_slice %arg6[%add3A_145, %dma_start3A_193] : memref<5120x5120xf32, #tpu.memory_space<hbm>> -> memref<1x5120xf32, #tpu.memory_space<hbm>>
      %dma_start3A_195 = tpu.memref_squeeze %dma_start3A_194 : memref<1x5120xf32, #tpu.memory_space<hbm>> -> memref<5120xf32, #tpu.memory_space<hbm>>
      %dma_start3A_196 = arith.constant 5120 : i32
      %dma_start3A_197 = tpu.memref_slice %arg11[%dma_start3A_196] : memref<20480xf32, #tpu.memory_space<vmem>> -> memref<5120xf32, #tpu.memory_space<vmem>>
      tpu.enqueue_dma source(%dma_start3A_197 : memref<5120xf32, #tpu.memory_space<vmem>>) target(%dma_start3A_195 : memref<5120xf32, #tpu.memory_space<hbm>>) target_semaphore(%arg13 : memref<!tpu.dma_semaphore, #tpu.memory_space<semaphore_mem>>)
      %mul3A_198 = arith.constant 4 : i32
      %mul3A_199 = arith.muli %scan3A_78, %mul3A_198 : i32
      %add3A_200 = arith.constant 2 : i32
      %add3A_201 = arith.addi %mul3A_199, %add3A_200 : i32
      %gt3A_202 = arith.constant 0 : i32
      %gt3A_203 = arith.cmpi sgt, %scan3A_78, %gt3A_202 : i32
      %convert_element_type3A_204 = arith.extui %gt3A_203 : i1 to i32
      %cond3A_205 = arith.constant 0 : i32
      %cond3A_206 = arith.cmpi ne, %convert_element_type3A_204, %cond3A_205 : i32
      scf.if %cond3A_206 {
        %sub3A = arith.constant 4 : i32
        %sub3A_322 = arith.subi %add3A_201, %sub3A : i32
        %add3A_323 = arith.addi %mul3A_2, %sub3A_322 : i32
        %shift_right_logical3A_324 = arith.constant 10 : i32
        %shift_right_logical3A_325 = arith.shrui %add3A_323, %shift_right_logical3A_324 : i32
        %shift_left3A_326 = arith.constant 10 : i32
        %shift_left3A_327 = arith.shli %shift_right_logical3A_325, %shift_left3A_326 : i32
        %dma_wait3A_328 = arith.constant 10240 : i32
        %dma_wait3A_329 = tpu.memref_slice %arg11[%dma_wait3A_328] : memref<20480xf32, #tpu.memory_space<vmem>> -> memref<5120xf32, #tpu.memory_space<vmem>>
        %dma_wait3A_330 = arith.constant 0 : i32
        %dma_wait3A_331 = tpu.memref_slice %arg6[%add3A_323, %dma_wait3A_330] : memref<5120x5120xf32, #tpu.memory_space<hbm>> -> memref<1x5120xf32, #tpu.memory_space<hbm>>
        %dma_wait3A_332 = tpu.memref_squeeze %dma_wait3A_331 : memref<1x5120xf32, #tpu.memory_space<hbm>> -> memref<5120xf32, #tpu.memory_space<hbm>>
        %dma_wait3A_333 = arith.constant 0 : i32
        %dma_wait3A_334 = tpu.memref_slice %arg6[%add3A_323, %dma_wait3A_333] : memref<5120x5120xf32, #tpu.memory_space<hbm>> -> memref<1x5120xf32, #tpu.memory_space<hbm>>
        %dma_wait3A_335 = tpu.memref_squeeze %dma_wait3A_334 : memref<1x5120xf32, #tpu.memory_space<hbm>> -> memref<5120xf32, #tpu.memory_space<hbm>>
        %dma_wait3A_336 = arith.constant 10240 : i32
        %dma_wait3A_337 = tpu.memref_slice %arg11[%dma_wait3A_336] : memref<20480xf32, #tpu.memory_space<vmem>> -> memref<5120xf32, #tpu.memory_space<vmem>>
        tpu.wait_dma2 semaphore(%arg14 : memref<!tpu.dma_semaphore, #tpu.memory_space<semaphore_mem>>) src(%dma_wait3A_337 : memref<5120xf32, #tpu.memory_space<vmem>>) dst(%dma_wait3A_335 : memref<5120xf32, #tpu.memory_space<hbm>>)
        %add3A_338 = arith.addi %mul3A_2, %sub3A_322 : i32
        %shift_right_logical3A_339 = arith.constant 10 : i32
        %shift_right_logical3A_340 = arith.shrui %add3A_338, %shift_right_logical3A_339 : i32
        %shift_left3A_341 = arith.constant 10 : i32
        %shift_left3A_342 = arith.shli %shift_right_logical3A_340, %shift_left3A_341 : i32
        %get3A_343 = arith.index_cast %sub3A_322 : i32 to index
        %get3A_344 = arith.constant 0 : index
        %get3A_345 = tpu.vector_load %arg8[%get3A_343, %get3A_344] {strides = array<i32>} : memref<160x128xi32, #tpu.memory_space<vmem>>, vector<16xi32>,
        %add3A_346 = arith.constant 10240 : i32
        %add3A_347 = arith.addi %shift_left3A_342, %add3A_346 : i32
        %add3A_348 = vector.broadcast %add3A_347 : i32 to vector<16xi32>
        %add3A_349 = arith.addi %get3A_345, %add3A_348 : vector<16xi32>
        %get3A_350 = arith.index_cast %sub3A_322 : i32 to index
        %get3A_351 = arith.constant 0 : index
        %get3A_352 = tpu.vector_load %arg10[%get3A_350, %get3A_351] {strides = array<i32>} : memref<160x128xi32, #tpu.memory_space<vmem>>, vector<16xi32>,
        %add3A_353 = arith.constant 14336 : i32
        %add3A_354 = vector.broadcast %add3A_353 : i32 to vector<16xi32>
        %add3A_355 = arith.addi %get3A_352, %add3A_354 : vector<16xi32>
        tpu.vector_store_idx %arg11[%add3A_349], %broadcast_in_dim3A_3 : memref<20480xf32, #tpu.memory_space<vmem>>[vector<16xi32>], vector<16xf32>,
        tpu.vector_store_idx %arg11[%add3A_355], %broadcast_in_dim3A_3 : memref<20480xf32, #tpu.memory_space<vmem>>[vector<16xi32>], vector<16xf32>,
        %get3A_356 = arith.index_cast %sub3A_322 : i32 to index
        %get3A_357 = arith.constant 16 : index
        %get3A_358 = tpu.vector_load %arg8[%get3A_356, %get3A_357] {strides = array<i32>} : memref<160x128xi32, #tpu.memory_space<vmem>>, vector<16xi32>,
        %add3A_359 = arith.constant 10240 : i32
        %add3A_360 = arith.addi %shift_left3A_342, %add3A_359 : i32
        %add3A_361 = vector.broadcast %add3A_360 : i32 to vector<16xi32>
        %add3A_362 = arith.addi %get3A_358, %add3A_361 : vector<16xi32>
        %get3A_363 = arith.index_cast %sub3A_322 : i32 to index
        %get3A_364 = arith.constant 16 : index
        %get3A_365 = tpu.vector_load %arg10[%get3A_363, %get3A_364] {strides = array<i32>} : memref<160x128xi32, #tpu.memory_space<vmem>>, vector<16xi32>,
        %add3A_366 = arith.constant 14336 : i32
        %add3A_367 = vector.broadcast %add3A_366 : i32 to vector<16xi32>
        %add3A_368 = arith.addi %get3A_365, %add3A_367 : vector<16xi32>
        tpu.vector_store_idx %arg11[%add3A_362], %broadcast_in_dim3A_3 masked %lt3A_10 : memref<20480xf32, #tpu.memory_space<vmem>>[vector<16xi32>], vector<16xf32>, vector<16xi1>
        tpu.vector_store_idx %arg11[%add3A_368], %broadcast_in_dim3A_3 masked %lt3A_10 : memref<20480xf32, #tpu.memory_space<vmem>>[vector<16xi32>], vector<16xf32>, vector<16xi1>
      } else {
      }
      %add3A_207 = arith.addi %mul3A_2, %add3A_201 : i32
      %shift_right_logical3A_208 = arith.constant 10 : i32
      %shift_right_logical3A_209 = arith.shrui %add3A_207, %shift_right_logical3A_208 : i32
      %shift_left3A_210 = arith.constant 10 : i32
      %shift_left3A_211 = arith.shli %shift_right_logical3A_209, %shift_left3A_210 : i32
      %get3A_212 = arith.index_cast %add3A_201 : i32 to index
      %get3A_213 = arith.constant 0 : index
      %get3A_214 = tpu.vector_load %arg8[%get3A_212, %get3A_213] {strides = array<i32>} : memref<160x128xi32, #tpu.memory_space<vmem>>, vector<16xi32>,
      %add3A_215 = arith.constant 10240 : i32
      %add3A_216 = arith.addi %shift_left3A_211, %add3A_215 : i32
      %add3A_217 = vector.broadcast %add3A_216 : i32 to vector<16xi32>
      %add3A_218 = arith.addi %get3A_214, %add3A_217 : vector<16xi32>
      %get3A_219 = arith.index_cast %add3A_201 : i32 to index
      %get3A_220 = arith.constant 0 : index
      %get3A_221 = tpu.vector_load %arg10[%get3A_219, %get3A_220] {strides = array<i32>} : memref<160x128xi32, #tpu.memory_space<vmem>>, vector<16xi32>,
      %add3A_222 = arith.constant 14336 : i32
      %add3A_223 = vector.broadcast %add3A_222 : i32 to vector<16xi32>
      %add3A_224 = arith.addi %get3A_221, %add3A_223 : vector<16xi32>
      %get3A_225 = arith.index_cast %add3A_201 : i32 to index
      %get3A_226 = arith.constant 0 : index
      %get3A_227 = tpu.vector_load %arg7[%get3A_225, %get3A_226] {strides = array<i32>} : memref<160x128xf32, #tpu.memory_space<vmem>>, vector<16xf32>,
      tpu.vector_store_idx %arg11[%add3A_218], %get3A_227 : memref<20480xf32, #tpu.memory_space<vmem>>[vector<16xi32>], vector<16xf32>,
      %get3A_228 = arith.index_cast %add3A_201 : i32 to index
      %get3A_229 = arith.constant 0 : index
      %get3A_230 = tpu.vector_load %arg9[%get3A_228, %get3A_229] {strides = array<i32>} : memref<160x128xf32, #tpu.memory_space<vmem>>, vector<16xf32>,
      tpu.vector_store_idx %arg11[%add3A_224], %get3A_230 : memref<20480xf32, #tpu.memory_space<vmem>>[vector<16xi32>], vector<16xf32>,
      %get3A_231 = arith.index_cast %add3A_201 : i32 to index
      %get3A_232 = arith.constant 16 : index
      %get3A_233 = tpu.vector_load %arg8[%get3A_231, %get3A_232] {strides = array<i32>} : memref<160x128xi32, #tpu.memory_space<vmem>>, vector<16xi32>,
      %add3A_234 = arith.constant 10240 : i32
      %add3A_235 = arith.addi %shift_left3A_211, %add3A_234 : i32
      %add3A_236 = vector.broadcast %add3A_235 : i32 to vector<16xi32>
      %add3A_237 = arith.addi %get3A_233, %add3A_236 : vector<16xi32>
      %get3A_238 = arith.index_cast %add3A_201 : i32 to index
      %get3A_239 = arith.constant 16 : index
      %get3A_240 = tpu.vector_load %arg10[%get3A_238, %get3A_239] {strides = array<i32>} : memref<160x128xi32, #tpu.memory_space<vmem>>, vector<16xi32>,
      %add3A_241 = arith.constant 14336 : i32
      %add3A_242 = vector.broadcast %add3A_241 : i32 to vector<16xi32>
      %add3A_243 = arith.addi %get3A_240, %add3A_242 : vector<16xi32>
      %get3A_244 = arith.index_cast %add3A_201 : i32 to index
      %get3A_245 = arith.constant 16 : index
      %get3A_246 = tpu.vector_load %arg7[%get3A_244, %get3A_245] {strides = array<i32>} : memref<160x128xf32, #tpu.memory_space<vmem>>, vector<16xf32>,
      tpu.vector_store_idx %arg11[%add3A_237], %get3A_246 masked %lt3A_10 : memref<20480xf32, #tpu.memory_space<vmem>>[vector<16xi32>], vector<16xf32>, vector<16xi1>
      %get3A_247 = arith.index_cast %add3A_201 : i32 to index
      %get3A_248 = arith.constant 16 : index
      %get3A_249 = tpu.vector_load %arg9[%get3A_247, %get3A_248] {strides = array<i32>} : memref<160x128xf32, #tpu.memory_space<vmem>>, vector<16xf32>,
      tpu.vector_store_idx %arg11[%add3A_243], %get3A_249 masked %lt3A_10 : memref<20480xf32, #tpu.memory_space<vmem>>[vector<16xi32>], vector<16xf32>, vector<16xi1>
      %dma_start3A_250 = arith.constant 10240 : i32
      %dma_start3A_251 = tpu.memref_slice %arg11[%dma_start3A_250] : memref<20480xf32, #tpu.memory_space<vmem>> -> memref<5120xf32, #tpu.memory_space<vmem>>
      %dma_start3A_252 = arith.constant 0 : i32
      %dma_start3A_253 = tpu.memref_slice %arg6[%add3A_207, %dma_start3A_252] : memref<5120x5120xf32, #tpu.memory_space<hbm>> -> memref<1x5120xf32, #tpu.memory_space<hbm>>
      %dma_start3A_254 = tpu.memref_squeeze %dma_start3A_253 : memref<1x5120xf32, #tpu.memory_space<hbm>> -> memref<5120xf32, #tpu.memory_space<hbm>>
      %dma_start3A_255 = arith.constant 0 : i32
      %dma_start3A_256 = tpu.memref_slice %arg6[%add3A_207, %dma_start3A_255] : memref<5120x5120xf32, #tpu.memory_space<hbm>> -> memref<1x5120xf32, #tpu.memory_space<hbm>>
      %dma_start3A_257 = tpu.memref_squeeze %dma_start3A_256 : memref<1x5120xf32, #tpu.memory_space<hbm>> -> memref<5120xf32, #tpu.memory_space<hbm>>
      %dma_start3A_258 = arith.constant 10240 : i32
      %dma_start3A_259 = tpu.memref_slice %arg11[%dma_start3A_258] : memref<20480xf32, #tpu.memory_space<vmem>> -> memref<5120xf32, #tpu.memory_space<vmem>>
      tpu.enqueue_dma source(%dma_start3A_259 : memref<5120xf32, #tpu.memory_space<vmem>>) target(%dma_start3A_257 : memref<5120xf32, #tpu.memory_space<hbm>>) target_semaphore(%arg14 : memref<!tpu.dma_semaphore, #tpu.memory_space<semaphore_mem>>)
      %mul3A_260 = arith.constant 4 : i32
      %mul3A_261 = arith.muli %scan3A_78, %mul3A_260 : i32
      %add3A_262 = arith.constant 3 : i32
      %add3A_263 = arith.addi %mul3A_261, %add3A_262 : i32
      %gt3A_264 = arith.constant 0 : i32
      %gt3A_265 = arith.cmpi sgt, %scan3A_78, %gt3A_264 : i32
      %convert_element_type3A_266 = arith.extui %gt3A_265 : i1 to i32
      %cond3A_267 = arith.constant 0 : i32
      %cond3A_268 = arith.cmpi ne, %convert_element_type3A_266, %cond3A_267 : i32
      scf.if %cond3A_268 {
        %sub3A = arith.constant 4 : i32
        %sub3A_322 = arith.subi %add3A_263, %sub3A : i32
        %add3A_323 = arith.addi %mul3A_2, %sub3A_322 : i32
        %shift_right_logical3A_324 = arith.constant 10 : i32
        %shift_right_logical3A_325 = arith.shrui %add3A_323, %shift_right_logical3A_324 : i32
        %shift_left3A_326 = arith.constant 10 : i32
        %shift_left3A_327 = arith.shli %shift_right_logical3A_325, %shift_left3A_326 : i32
        %dma_wait3A_328 = arith.constant 15360 : i32
        %dma_wait3A_329 = tpu.memref_slice %arg11[%dma_wait3A_328] : memref<20480xf32, #tpu.memory_space<vmem>> -> memref<5120xf32, #tpu.memory_space<vmem>>
        %dma_wait3A_330 = arith.constant 0 : i32
        %dma_wait3A_331 = tpu.memref_slice %arg6[%add3A_323, %dma_wait3A_330] : memref<5120x5120xf32, #tpu.memory_space<hbm>> -> memref<1x5120xf32, #tpu.memory_space<hbm>>
        %dma_wait3A_332 = tpu.memref_squeeze %dma_wait3A_331 : memref<1x5120xf32, #tpu.memory_space<hbm>> -> memref<5120xf32, #tpu.memory_space<hbm>>
        %dma_wait3A_333 = arith.constant 0 : i32
        %dma_wait3A_334 = tpu.memref_slice %arg6[%add3A_323, %dma_wait3A_333] : memref<5120x5120xf32, #tpu.memory_space<hbm>> -> memref<1x5120xf32, #tpu.memory_space<hbm>>
        %dma_wait3A_335 = tpu.memref_squeeze %dma_wait3A_334 : memref<1x5120xf32, #tpu.memory_space<hbm>> -> memref<5120xf32, #tpu.memory_space<hbm>>
        %dma_wait3A_336 = arith.constant 15360 : i32
        %dma_wait3A_337 = tpu.memref_slice %arg11[%dma_wait3A_336] : memref<20480xf32, #tpu.memory_space<vmem>> -> memref<5120xf32, #tpu.memory_space<vmem>>
        tpu.wait_dma2 semaphore(%arg15 : memref<!tpu.dma_semaphore, #tpu.memory_space<semaphore_mem>>) src(%dma_wait3A_337 : memref<5120xf32, #tpu.memory_space<vmem>>) dst(%dma_wait3A_335 : memref<5120xf32, #tpu.memory_space<hbm>>)
        %add3A_338 = arith.addi %mul3A_2, %sub3A_322 : i32
        %shift_right_logical3A_339 = arith.constant 10 : i32
        %shift_right_logical3A_340 = arith.shrui %add3A_338, %shift_right_logical3A_339 : i32
        %shift_left3A_341 = arith.constant 10 : i32
        %shift_left3A_342 = arith.shli %shift_right_logical3A_340, %shift_left3A_341 : i32
        %get3A_343 = arith.index_cast %sub3A_322 : i32 to index
        %get3A_344 = arith.constant 0 : index
        %get3A_345 = tpu.vector_load %arg8[%get3A_343, %get3A_344] {strides = array<i32>} : memref<160x128xi32, #tpu.memory_space<vmem>>, vector<16xi32>,
        %add3A_346 = arith.constant 15360 : i32
        %add3A_347 = arith.addi %shift_left3A_342, %add3A_346 : i32
        %add3A_348 = vector.broadcast %add3A_347 : i32 to vector<16xi32>
        %add3A_349 = arith.addi %get3A_345, %add3A_348 : vector<16xi32>
        %get3A_350 = arith.index_cast %sub3A_322 : i32 to index
        %get3A_351 = arith.constant 0 : index
        %get3A_352 = tpu.vector_load %arg10[%get3A_350, %get3A_351] {strides = array<i32>} : memref<160x128xi32, #tpu.memory_space<vmem>>, vector<16xi32>,
        %add3A_353 = arith.constant 19456 : i32
        %add3A_354 = vector.broadcast %add3A_353 : i32 to vector<16xi32>
        %add3A_355 = arith.addi %get3A_352, %add3A_354 : vector<16xi32>
        tpu.vector_store_idx %arg11[%add3A_349], %broadcast_in_dim3A_3 : memref<20480xf32, #tpu.memory_space<vmem>>[vector<16xi32>], vector<16xf32>,
        tpu.vector_store_idx %arg11[%add3A_355], %broadcast_in_dim3A_3 : memref<20480xf32, #tpu.memory_space<vmem>>[vector<16xi32>], vector<16xf32>,
        %get3A_356 = arith.index_cast %sub3A_322 : i32 to index
        %get3A_357 = arith.constant 16 : index
        %get3A_358 = tpu.vector_load %arg8[%get3A_356, %get3A_357] {strides = array<i32>} : memref<160x128xi32, #tpu.memory_space<vmem>>, vector<16xi32>,
        %add3A_359 = arith.constant 15360 : i32
        %add3A_360 = arith.addi %shift_left3A_342, %add3A_359 : i32
        %add3A_361 = vector.broadcast %add3A_360 : i32 to vector<16xi32>
        %add3A_362 = arith.addi %get3A_358, %add3A_361 : vector<16xi32>
        %get3A_363 = arith.index_cast %sub3A_322 : i32 to index
        %get3A_364 = arith.constant 16 : index
        %get3A_365 = tpu.vector_load %arg10[%get3A_363, %get3A_364] {strides = array<i32>} : memref<160x128xi32, #tpu.memory_space<vmem>>, vector<16xi32>,
        %add3A_366 = arith.constant 19456 : i32
        %add3A_367 = vector.broadcast %add3A_366 : i32 to vector<16xi32>
        %add3A_368 = arith.addi %get3A_365, %add3A_367 : vector<16xi32>
        tpu.vector_store_idx %arg11[%add3A_362], %broadcast_in_dim3A_3 masked %lt3A_10 : memref<20480xf32, #tpu.memory_space<vmem>>[vector<16xi32>], vector<16xf32>, vector<16xi1>
        tpu.vector_store_idx %arg11[%add3A_368], %broadcast_in_dim3A_3 masked %lt3A_10 : memref<20480xf32, #tpu.memory_space<vmem>>[vector<16xi32>], vector<16xf32>, vector<16xi1>
      } else {
      }
      %add3A_269 = arith.addi %mul3A_2, %add3A_263 : i32
      %shift_right_logical3A_270 = arith.constant 10 : i32
      %shift_right_logical3A_271 = arith.shrui %add3A_269, %shift_right_logical3A_270 : i32
      %shift_left3A_272 = arith.constant 10 : i32
      %shift_left3A_273 = arith.shli %shift_right_logical3A_271, %shift_left3A_272 : i32
      %get3A_274 = arith.index_cast %add3A_263 : i32 to index
      %get3A_275 = arith.constant 0 : index
      %get3A_276 = tpu.vector_load %arg8[%get3A_274, %get3A_275] {strides = array<i32>} : memref<160x128xi32, #tpu.memory_space<vmem>>, vector<16xi32>,
      %add3A_277 = arith.constant 15360 : i32
      %add3A_278 = arith.addi %shift_left3A_273, %add3A_277 : i32
      %add3A_279 = vector.broadcast %add3A_278 : i32 to vector<16xi32>
      %add3A_280 = arith.addi %get3A_276, %add3A_279 : vector<16xi32>
      %get3A_281 = arith.index_cast %add3A_263 : i32 to index
      %get3A_282 = arith.constant 0 : index
      %get3A_283 = tpu.vector_load %arg10[%get3A_281, %get3A_282] {strides = array<i32>} : memref<160x128xi32, #tpu.memory_space<vmem>>, vector<16xi32>,
      %add3A_284 = arith.constant 19456 : i32
      %add3A_285 = vector.broadcast %add3A_284 : i32 to vector<16xi32>
      %add3A_286 = arith.addi %get3A_283, %add3A_285 : vector<16xi32>
      %get3A_287 = arith.index_cast %add3A_263 : i32 to index
      %get3A_288 = arith.constant 0 : index
      %get3A_289 = tpu.vector_load %arg7[%get3A_287, %get3A_288] {strides = array<i32>} : memref<160x128xf32, #tpu.memory_space<vmem>>, vector<16xf32>,
      tpu.vector_store_idx %arg11[%add3A_280], %get3A_289 : memref<20480xf32, #tpu.memory_space<vmem>>[vector<16xi32>], vector<16xf32>,
      %get3A_290 = arith.index_cast %add3A_263 : i32 to index
      %get3A_291 = arith.constant 0 : index
      %get3A_292 = tpu.vector_load %arg9[%get3A_290, %get3A_291] {strides = array<i32>} : memref<160x128xf32, #tpu.memory_space<vmem>>, vector<16xf32>,
      tpu.vector_store_idx %arg11[%add3A_286], %get3A_292 : memref<20480xf32, #tpu.memory_space<vmem>>[vector<16xi32>], vector<16xf32>,
      %get3A_293 = arith.index_cast %add3A_263 : i32 to index
      %get3A_294 = arith.constant 16 : index
      %get3A_295 = tpu.vector_load %arg8[%get3A_293, %get3A_294] {strides = array<i32>} : memref<160x128xi32, #tpu.memory_space<vmem>>, vector<16xi32>,
      %add3A_296 = arith.constant 15360 : i32
      %add3A_297 = arith.addi %shift_left3A_273, %add3A_296 : i32
      %add3A_298 = vector.broadcast %add3A_297 : i32 to vector<16xi32>
      %add3A_299 = arith.addi %get3A_295, %add3A_298 : vector<16xi32>
      %get3A_300 = arith.index_cast %add3A_263 : i32 to index
      %get3A_301 = arith.constant 16 : index
      %get3A_302 = tpu.vector_load %arg10[%get3A_300, %get3A_301] {strides = array<i32>} : memref<160x128xi32, #tpu.memory_space<vmem>>, vector<16xi32>,
      %add3A_303 = arith.constant 19456 : i32
      %add3A_304 = vector.broadcast %add3A_303 : i32 to vector<16xi32>
      %add3A_305 = arith.addi %get3A_302, %add3A_304 : vector<16xi32>
      %get3A_306 = arith.index_cast %add3A_263 : i32 to index
      %get3A_307 = arith.constant 16 : index
      %get3A_308 = tpu.vector_load %arg7[%get3A_306, %get3A_307] {strides = array<i32>} : memref<160x128xf32, #tpu.memory_space<vmem>>, vector<16xf32>,
      tpu.vector_store_idx %arg11[%add3A_299], %get3A_308 masked %lt3A_10 : memref<20480xf32, #tpu.memory_space<vmem>>[vector<16xi32>], vector<16xf32>, vector<16xi1>
      %get3A_309 = arith.index_cast %add3A_263 : i32 to index
      %get3A_310 = arith.constant 16 : index
      %get3A_311 = tpu.vector_load %arg9[%get3A_309, %get3A_310] {strides = array<i32>} : memref<160x128xf32, #tpu.memory_space<vmem>>, vector<16xf32>,
      tpu.vector_store_idx %arg11[%add3A_305], %get3A_311 masked %lt3A_10 : memref<20480xf32, #tpu.memory_space<vmem>>[vector<16xi32>], vector<16xf32>, vector<16xi1>
      %dma_start3A_312 = arith.constant 15360 : i32
      %dma_start3A_313 = tpu.memref_slice %arg11[%dma_start3A_312] : memref<20480xf32, #tpu.memory_space<vmem>> -> memref<5120xf32, #tpu.memory_space<vmem>>
      %dma_start3A_314 = arith.constant 0 : i32
      %dma_start3A_315 = tpu.memref_slice %arg6[%add3A_269, %dma_start3A_314] : memref<5120x5120xf32, #tpu.memory_space<hbm>> -> memref<1x5120xf32, #tpu.memory_space<hbm>>
      %dma_start3A_316 = tpu.memref_squeeze %dma_start3A_315 : memref<1x5120xf32, #tpu.memory_space<hbm>> -> memref<5120xf32, #tpu.memory_space<hbm>>
      %dma_start3A_317 = arith.constant 0 : i32
      %dma_start3A_318 = tpu.memref_slice %arg6[%add3A_269, %dma_start3A_317] : memref<5120x5120xf32, #tpu.memory_space<hbm>> -> memref<1x5120xf32, #tpu.memory_space<hbm>>
      %dma_start3A_319 = tpu.memref_squeeze %dma_start3A_318 : memref<1x5120xf32, #tpu.memory_space<hbm>> -> memref<5120xf32, #tpu.memory_space<hbm>>
      %dma_start3A_320 = arith.constant 15360 : i32
      %dma_start3A_321 = tpu.memref_slice %arg11[%dma_start3A_320] : memref<20480xf32, #tpu.memory_space<vmem>> -> memref<5120xf32, #tpu.memory_space<vmem>>
      tpu.enqueue_dma source(%dma_start3A_321 : memref<5120xf32, #tpu.memory_space<vmem>>) target(%dma_start3A_319 : memref<5120xf32, #tpu.memory_space<hbm>>) target_semaphore(%arg15 : memref<!tpu.dma_semaphore, #tpu.memory_space<semaphore_mem>>)
    }
    %scan3A_16 = arith.constant 40 : i32
    %add3A_17 = arith.constant 156 : i32
    %add3A_18 = arith.addi %mul3A_2, %add3A_17 : i32
    %shift_right_logical3A = arith.constant 10 : i32
    %shift_right_logical3A_19 = arith.shrui %add3A_18, %shift_right_logical3A : i32
    %shift_left3A = arith.constant 10 : i32
    %shift_left3A_20 = arith.shli %shift_right_logical3A_19, %shift_left3A : i32
    %dma_wait3A = arith.constant 0 : i32
    %dma_wait3A_21 = tpu.memref_slice %arg11[%dma_wait3A] : memref<20480xf32, #tpu.memory_space<vmem>> -> memref<5120xf32, #tpu.memory_space<vmem>>
    %dma_wait3A_22 = arith.constant 0 : i32
    %dma_wait3A_23 = tpu.memref_slice %arg6[%add3A_18, %dma_wait3A_22] : memref<5120x5120xf32, #tpu.memory_space<hbm>> -> memref<1x5120xf32, #tpu.memory_space<hbm>>
    %dma_wait3A_24 = tpu.memref_squeeze %dma_wait3A_23 : memref<1x5120xf32, #tpu.memory_space<hbm>> -> memref<5120xf32, #tpu.memory_space<hbm>>
    %dma_wait3A_25 = arith.constant 0 : i32
    %dma_wait3A_26 = tpu.memref_slice %arg6[%add3A_18, %dma_wait3A_25] : memref<5120x5120xf32, #tpu.memory_space<hbm>> -> memref<1x5120xf32, #tpu.memory_space<hbm>>
    %dma_wait3A_27 = tpu.memref_squeeze %dma_wait3A_26 : memref<1x5120xf32, #tpu.memory_space<hbm>> -> memref<5120xf32, #tpu.memory_space<hbm>>
    %dma_wait3A_28 = arith.constant 0 : i32
    %dma_wait3A_29 = tpu.memref_slice %arg11[%dma_wait3A_28] : memref<20480xf32, #tpu.memory_space<vmem>> -> memref<5120xf32, #tpu.memory_space<vmem>>
    tpu.wait_dma2 semaphore(%arg12 : memref<!tpu.dma_semaphore, #tpu.memory_space<semaphore_mem>>) src(%dma_wait3A_29 : memref<5120xf32, #tpu.memory_space<vmem>>) dst(%dma_wait3A_27 : memref<5120xf32, #tpu.memory_space<hbm>>)
    %add3A_30 = arith.constant 157 : i32
    %add3A_31 = arith.addi %mul3A_2, %add3A_30 : i32
    %shift_right_logical3A_32 = arith.constant 10 : i32
    %shift_right_logical3A_33 = arith.shrui %add3A_31, %shift_right_logical3A_32 : i32
    %shift_left3A_34 = arith.constant 10 : i32
    %shift_left3A_35 = arith.shli %shift_right_logical3A_33, %shift_left3A_34 : i32
    %dma_wait3A_36 = arith.constant 5120 : i32
    %dma_wait3A_37 = tpu.memref_slice %arg11[%dma_wait3A_36] : memref<20480xf32, #tpu.memory_space<vmem>> -> memref<5120xf32, #tpu.memory_space<vmem>>
    %dma_wait3A_38 = arith.constant 0 : i32
    %dma_wait3A_39 = tpu.memref_slice %arg6[%add3A_31, %dma_wait3A_38] : memref<5120x5120xf32, #tpu.memory_space<hbm>> -> memref<1x5120xf32, #tpu.memory_space<hbm>>
    %dma_wait3A_40 = tpu.memref_squeeze %dma_wait3A_39 : memref<1x5120xf32, #tpu.memory_space<hbm>> -> memref<5120xf32, #tpu.memory_space<hbm>>
    %dma_wait3A_41 = arith.constant 0 : i32
    %dma_wait3A_42 = tpu.memref_slice %arg6[%add3A_31, %dma_wait3A_41] : memref<5120x5120xf32, #tpu.memory_space<hbm>> -> memref<1x5120xf32, #tpu.memory_space<hbm>>
    %dma_wait3A_43 = tpu.memref_squeeze %dma_wait3A_42 : memref<1x5120xf32, #tpu.memory_space<hbm>> -> memref<5120xf32, #tpu.memory_space<hbm>>
    %dma_wait3A_44 = arith.constant 5120 : i32
    %dma_wait3A_45 = tpu.memref_slice %arg11[%dma_wait3A_44] : memref<20480xf32, #tpu.memory_space<vmem>> -> memref<5120xf32, #tpu.memory_space<vmem>>
    tpu.wait_dma2 semaphore(%arg13 : memref<!tpu.dma_semaphore, #tpu.memory_space<semaphore_mem>>) src(%dma_wait3A_45 : memref<5120xf32, #tpu.memory_space<vmem>>) dst(%dma_wait3A_43 : memref<5120xf32, #tpu.memory_space<hbm>>)
    %add3A_46 = arith.constant 158 : i32
    %add3A_47 = arith.addi %mul3A_2, %add3A_46 : i32
    %shift_right_logical3A_48 = arith.constant 10 : i32
    %shift_right_logical3A_49 = arith.shrui %add3A_47, %shift_right_logical3A_48 : i32
    %shift_left3A_50 = arith.constant 10 : i32
    %shift_left3A_51 = arith.shli %shift_right_logical3A_49, %shift_left3A_50 : i32
    %dma_wait3A_52 = arith.constant 10240 : i32
    %dma_wait3A_53 = tpu.memref_slice %arg11[%dma_wait3A_52] : memref<20480xf32, #tpu.memory_space<vmem>> -> memref<5120xf32, #tpu.memory_space<vmem>>
    %dma_wait3A_54 = arith.constant 0 : i32
    %dma_wait3A_55 = tpu.memref_slice %arg6[%add3A_47, %dma_wait3A_54] : memref<5120x5120xf32, #tpu.memory_space<hbm>> -> memref<1x5120xf32, #tpu.memory_space<hbm>>
    %dma_wait3A_56 = tpu.memref_squeeze %dma_wait3A_55 : memref<1x5120xf32, #tpu.memory_space<hbm>> -> memref<5120xf32, #tpu.memory_space<hbm>>
    %dma_wait3A_57 = arith.constant 0 : i32
    %dma_wait3A_58 = tpu.memref_slice %arg6[%add3A_47, %dma_wait3A_57] : memref<5120x5120xf32, #tpu.memory_space<hbm>> -> memref<1x5120xf32, #tpu.memory_space<hbm>>
    %dma_wait3A_59 = tpu.memref_squeeze %dma_wait3A_58 : memref<1x5120xf32, #tpu.memory_space<hbm>> -> memref<5120xf32, #tpu.memory_space<hbm>>
    %dma_wait3A_60 = arith.constant 10240 : i32
    %dma_wait3A_61 = tpu.memref_slice %arg11[%dma_wait3A_60] : memref<20480xf32, #tpu.memory_space<vmem>> -> memref<5120xf32, #tpu.memory_space<vmem>>
    tpu.wait_dma2 semaphore(%arg14 : memref<!tpu.dma_semaphore, #tpu.memory_space<semaphore_mem>>) src(%dma_wait3A_61 : memref<5120xf32, #tpu.memory_space<vmem>>) dst(%dma_wait3A_59 : memref<5120xf32, #tpu.memory_space<hbm>>)
    %add3A_62 = arith.constant 159 : i32
    %add3A_63 = arith.addi %mul3A_2, %add3A_62 : i32
    %shift_right_logical3A_64 = arith.constant 10 : i32
    %shift_right_logical3A_65 = arith.shrui %add3A_63, %shift_right_logical3A_64 : i32
    %shift_left3A_66 = arith.constant 10 : i32
    %shift_left3A_67 = arith.shli %shift_right_logical3A_65, %shift_left3A_66 : i32
    %dma_wait3A_68 = arith.constant 15360 : i32
    %dma_wait3A_69 = tpu.memref_slice %arg11[%dma_wait3A_68] : memref<20480xf32, #tpu.memory_space<vmem>> -> memref<5120xf32, #tpu.memory_space<vmem>>
    %dma_wait3A_70 = arith.constant 0 : i32
    %dma_wait3A_71 = tpu.memref_slice %arg6[%add3A_63, %dma_wait3A_70] : memref<5120x5120xf32, #tpu.memory_space<hbm>> -> memref<1x5120xf32, #tpu.memory_space<hbm>>
    %dma_wait3A_72 = tpu.memref_squeeze %dma_wait3A_71 : memref<1x5120xf32, #tpu.memory_space<hbm>> -> memref<5120xf32, #tpu.memory_space<hbm>>
    %dma_wait3A_73 = arith.constant 0 : i32
    %dma_wait3A_74 = tpu.memref_slice %arg6[%add3A_63, %dma_wait3A_73] : memref<5120x5120xf32, #tpu.memory_space<hbm>> -> memref<1x5120xf32, #tpu.memory_space<hbm>>
    %dma_wait3A_75 = tpu.memref_squeeze %dma_wait3A_74 : memref<1x5120xf32, #tpu.memory_space<hbm>> -> memref<5120xf32, #tpu.memory_space<hbm>>
    %dma_wait3A_76 = arith.constant 15360 : i32
    %dma_wait3A_77 = tpu.memref_slice %arg11[%dma_wait3A_76] : memref<20480xf32, #tpu.memory_space<vmem>> -> memref<5120xf32, #tpu.memory_space<vmem>>
    tpu.wait_dma2 semaphore(%arg15 : memref<!tpu.dma_semaphore, #tpu.memory_space<semaphore_mem>>) src(%dma_wait3A_77 : memref<5120xf32, #tpu.memory_space<vmem>>) dst(%dma_wait3A_75 : memref<5120xf32, #tpu.memory_space<hbm>>)
    return
  }
}

module attributes {stable_mosaic.version = 14 : i64} {
  func.func @_main_body(%arg0: i32, %arg1: memref<1024x1024xf32, #tpu.memory_space<vmem>>, %arg2: memref<1024x1024xf32, #tpu.memory_space<vmem>>, %arg3: memref<1024x128xf32, #tpu.memory_space<vmem>>, %arg4: memref<1024x128xf32, #tpu.memory_space<vmem>>, %arg5: memref<1x1024x128xf32, #tpu.memory_space<vmem>>, %arg6: memref<1x1024x128xi32, #tpu.memory_space<vmem>>, %arg7: memref<1x1024x128xf32, #tpu.memory_space<vmem>>, %arg8: memref<1x1024x128xi32, #tpu.memory_space<vmem>>) attributes {dimension_semantics = [#tpu.dimension_semantics<arbitrary>], iteration_bounds = array<i64: 9>, scalar_prefetch = 0 : i64, scratch_operands = 0 : i64, tpu.core_type = #tpu.core_type<tc>, window_params = [{transform_indices = @transform_0, window_bounds = array<i64: 1024, 1024>}, {transform_indices = @transform_1, window_bounds = array<i64: 1024, 1024>}, {transform_indices = @transform_2, window_bounds = array<i64: 1024, 128>}, {transform_indices = @transform_3, window_bounds = array<i64: 1024, 128>}, {transform_indices = @transform_4, window_bounds = array<i64: 1, 1024, 128>}, {transform_indices = @transform_5, window_bounds = array<i64: 1, 1024, 128>}, {transform_indices = @transform_6, window_bounds = array<i64: 1, 1024, 128>}, {transform_indices = @transform_7, window_bounds = array<i64: 1, 1024, 128>}]} {
    %get3A = arith.constant 0 : index
    %get3A_0 = arith.constant 0 : index
    %get3A_1 = vector.load %arg3[%get3A, %get3A_0] : memref<1024x128xf32, #tpu.memory_space<vmem>>, vector<1024x128xf32>
    %slice3A = vector.extract_strided_slice %get3A_1 {offsets = [0, 0], sizes = [1024, 1], strides = [1, 1]} : vector<1024x128xf32> to vector<1024x1xf32>
    %max3A = arith.constant 9.99999996E-13 : f32
    %max3A_2 = vector.broadcast %max3A : f32 to vector<1024x1xf32>
    %max3A_3 = arith.maximumf %slice3A, %max3A_2 : vector<1024x1xf32>
    %get3A_4 = arith.constant 0 : index
    %get3A_5 = arith.constant 0 : index
    %get3A_6 = vector.load %arg4[%get3A_4, %get3A_5] : memref<1024x128xf32, #tpu.memory_space<vmem>>, vector<1024x128xf32>
    %slice3A_7 = vector.extract_strided_slice %get3A_6 {offsets = [0, 0], sizes = [1024, 1], strides = [1, 1]} : vector<1024x128xf32> to vector<1024x1xf32>
    %max3A_8 = arith.constant 9.99999996E-13 : f32
    %max3A_9 = vector.broadcast %max3A_8 : f32 to vector<1024x1xf32>
    %max3A_10 = arith.maximumf %slice3A_7, %max3A_9 : vector<1024x1xf32>
    %get3A_11 = arith.constant 0 : index
    %get3A_12 = arith.constant 0 : index
    %get3A_13 = vector.load %arg1[%get3A_11, %get3A_12] : memref<1024x1024xf32, #tpu.memory_space<vmem>>, vector<1024x1024xf32>
    %div3A = vector.broadcast %max3A_3 : vector<1024x1xf32> to vector<1024x1024xf32>
    %div3A_14 = arith.divf %get3A_13, %div3A : vector<1024x1024xf32>
    %convert_element_type3A = arith.truncf %div3A_14 : vector<1024x1024xf32> to vector<1024x1024xbf16>
    %get3A_15 = arith.constant 0 : index
    %get3A_16 = arith.constant 0 : index
    %get3A_17 = vector.load %arg2[%get3A_15, %get3A_16] : memref<1024x1024xf32, #tpu.memory_space<vmem>>, vector<1024x1024xf32>
    %div3A_18 = vector.broadcast %max3A_10 : vector<1024x1xf32> to vector<1024x1024xf32>
    %div3A_19 = arith.divf %get3A_17, %div3A_18 : vector<1024x1024xf32>
    %convert_element_type3A_20 = arith.truncf %div3A_19 : vector<1024x1024xf32> to vector<1024x1024xbf16>
    %dot_general3A = arith.constant dense<0.000000e+00> : vector<1024x1024xf32>
    %dot_general3A_21 = tpu.matmul %convert_element_type3A_20, %convert_element_type3A, %dot_general3A {dimension_numbers = #tpu.dot_dimension_numbers<[1], [1], [0], [0], [0, 0, 1, 0], [], []>, transpose_lhs_hint = false} : vector<1024x1024xbf16>, vector<1024x1024xbf16>, vector<1024x1024xf32> -> vector<1024x1024xf32>
    %iota3A = tpu.iota {dimensions = array<i32: 0>} : vector<128x1024xi32>
    %slice3A_22 = vector.extract_strided_slice %dot_general3A_21 {offsets = [0, 0], sizes = [128, 1024], strides = [1, 1]} : vector<1024x1024xf32> to vector<128x1024xf32>
    %slice3A_23 = vector.extract_strided_slice %dot_general3A_21 {offsets = [128, 0], sizes = [128, 1024], strides = [1, 1]} : vector<1024x1024xf32> to vector<128x1024xf32>
    %slice3A_24 = vector.extract_strided_slice %dot_general3A_21 {offsets = [256, 0], sizes = [128, 1024], strides = [1, 1]} : vector<1024x1024xf32> to vector<128x1024xf32>
    %slice3A_25 = vector.extract_strided_slice %dot_general3A_21 {offsets = [384, 0], sizes = [128, 1024], strides = [1, 1]} : vector<1024x1024xf32> to vector<128x1024xf32>
    %slice3A_26 = vector.extract_strided_slice %dot_general3A_21 {offsets = [512, 0], sizes = [128, 1024], strides = [1, 1]} : vector<1024x1024xf32> to vector<128x1024xf32>
    %slice3A_27 = vector.extract_strided_slice %dot_general3A_21 {offsets = [640, 0], sizes = [128, 1024], strides = [1, 1]} : vector<1024x1024xf32> to vector<128x1024xf32>
    %slice3A_28 = vector.extract_strided_slice %dot_general3A_21 {offsets = [768, 0], sizes = [128, 1024], strides = [1, 1]} : vector<1024x1024xf32> to vector<128x1024xf32>
    %slice3A_29 = vector.extract_strided_slice %dot_general3A_21 {offsets = [896, 0], sizes = [128, 1024], strides = [1, 1]} : vector<1024x1024xf32> to vector<128x1024xf32>
    %add3A = arith.constant 0 : i32
    %add3A_30 = vector.broadcast %add3A : i32 to vector<128x1024xi32>
    %add3A_31 = arith.addi %iota3A, %add3A_30 : vector<128x1024xi32>
    %add3A_32 = arith.constant 128 : i32
    %add3A_33 = vector.broadcast %add3A_32 : i32 to vector<128x1024xi32>
    %add3A_34 = arith.addi %iota3A, %add3A_33 : vector<128x1024xi32>
    %add3A_35 = arith.constant 256 : i32
    %add3A_36 = vector.broadcast %add3A_35 : i32 to vector<128x1024xi32>
    %add3A_37 = arith.addi %iota3A, %add3A_36 : vector<128x1024xi32>
    %add3A_38 = arith.constant 384 : i32
    %add3A_39 = vector.broadcast %add3A_38 : i32 to vector<128x1024xi32>
    %add3A_40 = arith.addi %iota3A, %add3A_39 : vector<128x1024xi32>
    %add3A_41 = arith.constant 512 : i32
    %add3A_42 = vector.broadcast %add3A_41 : i32 to vector<128x1024xi32>
    %add3A_43 = arith.addi %iota3A, %add3A_42 : vector<128x1024xi32>
    %add3A_44 = arith.constant 640 : i32
    %add3A_45 = vector.broadcast %add3A_44 : i32 to vector<128x1024xi32>
    %add3A_46 = arith.addi %iota3A, %add3A_45 : vector<128x1024xi32>
    %add3A_47 = arith.constant 768 : i32
    %add3A_48 = vector.broadcast %add3A_47 : i32 to vector<128x1024xi32>
    %add3A_49 = arith.addi %iota3A, %add3A_48 : vector<128x1024xi32>
    %add3A_50 = arith.constant 896 : i32
    %add3A_51 = vector.broadcast %add3A_50 : i32 to vector<128x1024xi32>
    %add3A_52 = arith.addi %iota3A, %add3A_51 : vector<128x1024xi32>
    %gt3A = arith.cmpf ogt, %slice3A_23, %slice3A_22 : vector<128x1024xf32>
    %select_n3A = arith.select %gt3A, %slice3A_23, %slice3A_22 : vector<128x1024xi1>, vector<128x1024xf32>
    %select_n3A_53 = arith.select %gt3A, %slice3A_22, %slice3A_23 : vector<128x1024xi1>, vector<128x1024xf32>
    %select_n3A_54 = arith.select %gt3A, %add3A_34, %add3A_31 : vector<128x1024xi1>, vector<128x1024xi32>
    %select_n3A_55 = arith.select %gt3A, %add3A_31, %add3A_34 : vector<128x1024xi1>, vector<128x1024xi32>
    %gt3A_56 = arith.cmpf ogt, %slice3A_25, %slice3A_24 : vector<128x1024xf32>
    %select_n3A_57 = arith.select %gt3A_56, %slice3A_25, %slice3A_24 : vector<128x1024xi1>, vector<128x1024xf32>
    %select_n3A_58 = arith.select %gt3A_56, %slice3A_24, %slice3A_25 : vector<128x1024xi1>, vector<128x1024xf32>
    %select_n3A_59 = arith.select %gt3A_56, %add3A_40, %add3A_37 : vector<128x1024xi1>, vector<128x1024xi32>
    %select_n3A_60 = arith.select %gt3A_56, %add3A_37, %add3A_40 : vector<128x1024xi1>, vector<128x1024xi32>
    %gt3A_61 = arith.cmpf ogt, %slice3A_27, %slice3A_26 : vector<128x1024xf32>
    %select_n3A_62 = arith.select %gt3A_61, %slice3A_27, %slice3A_26 : vector<128x1024xi1>, vector<128x1024xf32>
    %select_n3A_63 = arith.select %gt3A_61, %slice3A_26, %slice3A_27 : vector<128x1024xi1>, vector<128x1024xf32>
    %select_n3A_64 = arith.select %gt3A_61, %add3A_46, %add3A_43 : vector<128x1024xi1>, vector<128x1024xi32>
    %select_n3A_65 = arith.select %gt3A_61, %add3A_43, %add3A_46 : vector<128x1024xi1>, vector<128x1024xi32>
    %gt3A_66 = arith.cmpf ogt, %slice3A_29, %slice3A_28 : vector<128x1024xf32>
    %select_n3A_67 = arith.select %gt3A_66, %slice3A_29, %slice3A_28 : vector<128x1024xi1>, vector<128x1024xf32>
    %select_n3A_68 = arith.select %gt3A_66, %slice3A_28, %slice3A_29 : vector<128x1024xi1>, vector<128x1024xf32>
    %select_n3A_69 = arith.select %gt3A_66, %add3A_52, %add3A_49 : vector<128x1024xi1>, vector<128x1024xi32>
    %select_n3A_70 = arith.select %gt3A_66, %add3A_49, %add3A_52 : vector<128x1024xi1>, vector<128x1024xi32>
    %gt3A_71 = arith.cmpf ogt, %select_n3A_57, %select_n3A_53 : vector<128x1024xf32>
    %select_n3A_72 = arith.select %gt3A_71, %select_n3A_57, %select_n3A_53 : vector<128x1024xi1>, vector<128x1024xf32>
    %select_n3A_73 = arith.select %gt3A_71, %select_n3A_53, %select_n3A_57 : vector<128x1024xi1>, vector<128x1024xf32>
    %select_n3A_74 = arith.select %gt3A_71, %select_n3A_59, %select_n3A_55 : vector<128x1024xi1>, vector<128x1024xi32>
    %select_n3A_75 = arith.select %gt3A_71, %select_n3A_55, %select_n3A_59 : vector<128x1024xi1>, vector<128x1024xi32>
    %gt3A_76 = arith.cmpf ogt, %select_n3A_62, %select_n3A_58 : vector<128x1024xf32>
    %select_n3A_77 = arith.select %gt3A_76, %select_n3A_62, %select_n3A_58 : vector<128x1024xi1>, vector<128x1024xf32>
    %select_n3A_78 = arith.select %gt3A_76, %select_n3A_58, %select_n3A_62 : vector<128x1024xi1>, vector<128x1024xf32>
    %select_n3A_79 = arith.select %gt3A_76, %select_n3A_64, %select_n3A_60 : vector<128x1024xi1>, vector<128x1024xi32>
    %select_n3A_80 = arith.select %gt3A_76, %select_n3A_60, %select_n3A_64 : vector<128x1024xi1>, vector<128x1024xi32>
    %gt3A_81 = arith.cmpf ogt, %select_n3A_67, %select_n3A_63 : vector<128x1024xf32>
    %select_n3A_82 = arith.select %gt3A_81, %select_n3A_67, %select_n3A_63 : vector<128x1024xi1>, vector<128x1024xf32>
    %select_n3A_83 = arith.select %gt3A_81, %select_n3A_63, %select_n3A_67 : vector<128x1024xi1>, vector<128x1024xf32>
    %select_n3A_84 = arith.select %gt3A_81, %select_n3A_69, %select_n3A_65 : vector<128x1024xi1>, vector<128x1024xi32>
    %select_n3A_85 = arith.select %gt3A_81, %select_n3A_65, %select_n3A_69 : vector<128x1024xi1>, vector<128x1024xi32>
    %gt3A_86 = arith.cmpf ogt, %select_n3A_72, %select_n3A : vector<128x1024xf32>
    %select_n3A_87 = arith.select %gt3A_86, %select_n3A_72, %select_n3A : vector<128x1024xi1>, vector<128x1024xf32>
    %select_n3A_88 = arith.select %gt3A_86, %select_n3A, %select_n3A_72 : vector<128x1024xi1>, vector<128x1024xf32>
    %select_n3A_89 = arith.select %gt3A_86, %select_n3A_74, %select_n3A_54 : vector<128x1024xi1>, vector<128x1024xi32>
    %select_n3A_90 = arith.select %gt3A_86, %select_n3A_54, %select_n3A_74 : vector<128x1024xi1>, vector<128x1024xi32>
    %gt3A_91 = arith.cmpf ogt, %select_n3A_77, %select_n3A_73 : vector<128x1024xf32>
    %select_n3A_92 = arith.select %gt3A_91, %select_n3A_77, %select_n3A_73 : vector<128x1024xi1>, vector<128x1024xf32>
    %select_n3A_93 = arith.select %gt3A_91, %select_n3A_73, %select_n3A_77 : vector<128x1024xi1>, vector<128x1024xf32>
    %select_n3A_94 = arith.select %gt3A_91, %select_n3A_79, %select_n3A_75 : vector<128x1024xi1>, vector<128x1024xi32>
    %select_n3A_95 = arith.select %gt3A_91, %select_n3A_75, %select_n3A_79 : vector<128x1024xi1>, vector<128x1024xi32>
    %gt3A_96 = arith.cmpf ogt, %select_n3A_82, %select_n3A_78 : vector<128x1024xf32>
    %select_n3A_97 = arith.select %gt3A_96, %select_n3A_82, %select_n3A_78 : vector<128x1024xi1>, vector<128x1024xf32>
    %select_n3A_98 = arith.select %gt3A_96, %select_n3A_78, %select_n3A_82 : vector<128x1024xi1>, vector<128x1024xf32>
    %select_n3A_99 = arith.select %gt3A_96, %select_n3A_84, %select_n3A_80 : vector<128x1024xi1>, vector<128x1024xi32>
    %select_n3A_100 = arith.select %gt3A_96, %select_n3A_80, %select_n3A_84 : vector<128x1024xi1>, vector<128x1024xi32>
    %gt3A_101 = arith.cmpf ogt, %select_n3A_68, %select_n3A_83 : vector<128x1024xf32>
    %select_n3A_102 = arith.select %gt3A_101, %select_n3A_68, %select_n3A_83 : vector<128x1024xi1>, vector<128x1024xf32>
    %select_n3A_103 = arith.select %gt3A_101, %select_n3A_83, %select_n3A_68 : vector<128x1024xi1>, vector<128x1024xf32>
    %select_n3A_104 = arith.select %gt3A_101, %select_n3A_70, %select_n3A_85 : vector<128x1024xi1>, vector<128x1024xi32>
    %select_n3A_105 = arith.select %gt3A_101, %select_n3A_85, %select_n3A_70 : vector<128x1024xi1>, vector<128x1024xi32>
    %gt3A_106 = arith.cmpf ogt, %select_n3A_92, %select_n3A_88 : vector<128x1024xf32>
    %select_n3A_107 = arith.select %gt3A_106, %select_n3A_92, %select_n3A_88 : vector<128x1024xi1>, vector<128x1024xf32>
    %select_n3A_108 = arith.select %gt3A_106, %select_n3A_88, %select_n3A_92 : vector<128x1024xi1>, vector<128x1024xf32>
    %select_n3A_109 = arith.select %gt3A_106, %select_n3A_94, %select_n3A_90 : vector<128x1024xi1>, vector<128x1024xi32>
    %select_n3A_110 = arith.select %gt3A_106, %select_n3A_90, %select_n3A_94 : vector<128x1024xi1>, vector<128x1024xi32>
    %gt3A_111 = arith.cmpf ogt, %select_n3A_97, %select_n3A_93 : vector<128x1024xf32>
    %select_n3A_112 = arith.select %gt3A_111, %select_n3A_97, %select_n3A_93 : vector<128x1024xi1>, vector<128x1024xf32>
    %select_n3A_113 = arith.select %gt3A_111, %select_n3A_93, %select_n3A_97 : vector<128x1024xi1>, vector<128x1024xf32>
    %select_n3A_114 = arith.select %gt3A_111, %select_n3A_99, %select_n3A_95 : vector<128x1024xi1>, vector<128x1024xi32>
    %select_n3A_115 = arith.select %gt3A_111, %select_n3A_95, %select_n3A_99 : vector<128x1024xi1>, vector<128x1024xi32>
    %gt3A_116 = arith.cmpf ogt, %select_n3A_102, %select_n3A_98 : vector<128x1024xf32>
    %select_n3A_117 = arith.select %gt3A_116, %select_n3A_102, %select_n3A_98 : vector<128x1024xi1>, vector<128x1024xf32>
    %select_n3A_118 = arith.select %gt3A_116, %select_n3A_98, %select_n3A_102 : vector<128x1024xi1>, vector<128x1024xf32>
    %select_n3A_119 = arith.select %gt3A_116, %select_n3A_104, %select_n3A_100 : vector<128x1024xi1>, vector<128x1024xi32>
    %select_n3A_120 = arith.select %gt3A_116, %select_n3A_100, %select_n3A_104 : vector<128x1024xi1>, vector<128x1024xi32>
    %gt3A_121 = arith.cmpf ogt, %select_n3A_107, %select_n3A_87 : vector<128x1024xf32>
    %select_n3A_122 = arith.select %gt3A_121, %select_n3A_107, %select_n3A_87 : vector<128x1024xi1>, vector<128x1024xf32>
    %select_n3A_123 = arith.select %gt3A_121, %select_n3A_87, %select_n3A_107 : vector<128x1024xi1>, vector<128x1024xf32>
    %select_n3A_124 = arith.select %gt3A_121, %select_n3A_109, %select_n3A_89 : vector<128x1024xi1>, vector<128x1024xi32>
    %select_n3A_125 = arith.select %gt3A_121, %select_n3A_89, %select_n3A_109 : vector<128x1024xi1>, vector<128x1024xi32>
    %gt3A_126 = arith.cmpf ogt, %select_n3A_112, %select_n3A_108 : vector<128x1024xf32>
    %select_n3A_127 = arith.select %gt3A_126, %select_n3A_112, %select_n3A_108 : vector<128x1024xi1>, vector<128x1024xf32>
    %select_n3A_128 = arith.select %gt3A_126, %select_n3A_108, %select_n3A_112 : vector<128x1024xi1>, vector<128x1024xf32>
    %select_n3A_129 = arith.select %gt3A_126, %select_n3A_114, %select_n3A_110 : vector<128x1024xi1>, vector<128x1024xi32>
    %select_n3A_130 = arith.select %gt3A_126, %select_n3A_110, %select_n3A_114 : vector<128x1024xi1>, vector<128x1024xi32>
    %gt3A_131 = arith.cmpf ogt, %select_n3A_117, %select_n3A_113 : vector<128x1024xf32>
    %select_n3A_132 = arith.select %gt3A_131, %select_n3A_117, %select_n3A_113 : vector<128x1024xi1>, vector<128x1024xf32>
    %select_n3A_133 = arith.select %gt3A_131, %select_n3A_113, %select_n3A_117 : vector<128x1024xi1>, vector<128x1024xf32>
    %select_n3A_134 = arith.select %gt3A_131, %select_n3A_119, %select_n3A_115 : vector<128x1024xi1>, vector<128x1024xi32>
    %select_n3A_135 = arith.select %gt3A_131, %select_n3A_115, %select_n3A_119 : vector<128x1024xi1>, vector<128x1024xi32>
    %gt3A_136 = arith.cmpf ogt, %select_n3A_103, %select_n3A_118 : vector<128x1024xf32>
    %select_n3A_137 = arith.select %gt3A_136, %select_n3A_103, %select_n3A_118 : vector<128x1024xi1>, vector<128x1024xf32>
    %select_n3A_138 = arith.select %gt3A_136, %select_n3A_118, %select_n3A_103 : vector<128x1024xi1>, vector<128x1024xf32>
    %select_n3A_139 = arith.select %gt3A_136, %select_n3A_105, %select_n3A_120 : vector<128x1024xi1>, vector<128x1024xi32>
    %select_n3A_140 = arith.select %gt3A_136, %select_n3A_120, %select_n3A_105 : vector<128x1024xi1>, vector<128x1024xi32>
    %gt3A_141 = arith.cmpf ogt, %select_n3A_127, %select_n3A_123 : vector<128x1024xf32>
    %select_n3A_142 = arith.select %gt3A_141, %select_n3A_127, %select_n3A_123 : vector<128x1024xi1>, vector<128x1024xf32>
    %select_n3A_143 = arith.select %gt3A_141, %select_n3A_123, %select_n3A_127 : vector<128x1024xi1>, vector<128x1024xf32>
    %select_n3A_144 = arith.select %gt3A_141, %select_n3A_129, %select_n3A_125 : vector<128x1024xi1>, vector<128x1024xi32>
    %select_n3A_145 = arith.select %gt3A_141, %select_n3A_125, %select_n3A_129 : vector<128x1024xi1>, vector<128x1024xi32>
    %gt3A_146 = arith.cmpf ogt, %select_n3A_132, %select_n3A_128 : vector<128x1024xf32>
    %select_n3A_147 = arith.select %gt3A_146, %select_n3A_132, %select_n3A_128 : vector<128x1024xi1>, vector<128x1024xf32>
    %select_n3A_148 = arith.select %gt3A_146, %select_n3A_128, %select_n3A_132 : vector<128x1024xi1>, vector<128x1024xf32>
    %select_n3A_149 = arith.select %gt3A_146, %select_n3A_134, %select_n3A_130 : vector<128x1024xi1>, vector<128x1024xi32>
    %select_n3A_150 = arith.select %gt3A_146, %select_n3A_130, %select_n3A_134 : vector<128x1024xi1>, vector<128x1024xi32>
    %gt3A_151 = arith.cmpf ogt, %select_n3A_137, %select_n3A_133 : vector<128x1024xf32>
    %select_n3A_152 = arith.select %gt3A_151, %select_n3A_137, %select_n3A_133 : vector<128x1024xi1>, vector<128x1024xf32>
    %select_n3A_153 = arith.select %gt3A_151, %select_n3A_133, %select_n3A_137 : vector<128x1024xi1>, vector<128x1024xf32>
    %select_n3A_154 = arith.select %gt3A_151, %select_n3A_139, %select_n3A_135 : vector<128x1024xi1>, vector<128x1024xi32>
    %select_n3A_155 = arith.select %gt3A_151, %select_n3A_135, %select_n3A_139 : vector<128x1024xi1>, vector<128x1024xi32>
    %gt3A_156 = arith.cmpf ogt, %select_n3A_142, %select_n3A_122 : vector<128x1024xf32>
    %select_n3A_157 = arith.select %gt3A_156, %select_n3A_142, %select_n3A_122 : vector<128x1024xi1>, vector<128x1024xf32>
    %select_n3A_158 = arith.select %gt3A_156, %select_n3A_122, %select_n3A_142 : vector<128x1024xi1>, vector<128x1024xf32>
    %select_n3A_159 = arith.select %gt3A_156, %select_n3A_144, %select_n3A_124 : vector<128x1024xi1>, vector<128x1024xi32>
    %select_n3A_160 = arith.select %gt3A_156, %select_n3A_124, %select_n3A_144 : vector<128x1024xi1>, vector<128x1024xi32>
    %gt3A_161 = arith.cmpf ogt, %select_n3A_147, %select_n3A_143 : vector<128x1024xf32>
    %select_n3A_162 = arith.select %gt3A_161, %select_n3A_147, %select_n3A_143 : vector<128x1024xi1>, vector<128x1024xf32>
    %select_n3A_163 = arith.select %gt3A_161, %select_n3A_143, %select_n3A_147 : vector<128x1024xi1>, vector<128x1024xf32>
    %select_n3A_164 = arith.select %gt3A_161, %select_n3A_149, %select_n3A_145 : vector<128x1024xi1>, vector<128x1024xi32>
    %select_n3A_165 = arith.select %gt3A_161, %select_n3A_145, %select_n3A_149 : vector<128x1024xi1>, vector<128x1024xi32>
    %gt3A_166 = arith.cmpf ogt, %select_n3A_152, %select_n3A_148 : vector<128x1024xf32>
    %select_n3A_167 = arith.select %gt3A_166, %select_n3A_152, %select_n3A_148 : vector<128x1024xi1>, vector<128x1024xf32>
    %select_n3A_168 = arith.select %gt3A_166, %select_n3A_148, %select_n3A_152 : vector<128x1024xi1>, vector<128x1024xf32>
    %select_n3A_169 = arith.select %gt3A_166, %select_n3A_154, %select_n3A_150 : vector<128x1024xi1>, vector<128x1024xi32>
    %select_n3A_170 = arith.select %gt3A_166, %select_n3A_150, %select_n3A_154 : vector<128x1024xi1>, vector<128x1024xi32>
    %gt3A_171 = arith.cmpf ogt, %select_n3A_138, %select_n3A_153 : vector<128x1024xf32>
    %select_n3A_172 = arith.select %gt3A_171, %select_n3A_138, %select_n3A_153 : vector<128x1024xi1>, vector<128x1024xf32>
    %select_n3A_173 = arith.select %gt3A_171, %select_n3A_153, %select_n3A_138 : vector<128x1024xi1>, vector<128x1024xf32>
    %select_n3A_174 = arith.select %gt3A_171, %select_n3A_140, %select_n3A_155 : vector<128x1024xi1>, vector<128x1024xi32>
    %select_n3A_175 = arith.select %gt3A_171, %select_n3A_155, %select_n3A_140 : vector<128x1024xi1>, vector<128x1024xi32>
    %gt3A_176 = arith.cmpf ogt, %select_n3A_162, %select_n3A_158 : vector<128x1024xf32>
    %select_n3A_177 = arith.select %gt3A_176, %select_n3A_162, %select_n3A_158 : vector<128x1024xi1>, vector<128x1024xf32>
    %select_n3A_178 = arith.select %gt3A_176, %select_n3A_158, %select_n3A_162 : vector<128x1024xi1>, vector<128x1024xf32>
    %select_n3A_179 = arith.select %gt3A_176, %select_n3A_164, %select_n3A_160 : vector<128x1024xi1>, vector<128x1024xi32>
    %select_n3A_180 = arith.select %gt3A_176, %select_n3A_160, %select_n3A_164 : vector<128x1024xi1>, vector<128x1024xi32>
    %gt3A_181 = arith.cmpf ogt, %select_n3A_167, %select_n3A_163 : vector<128x1024xf32>
    %select_n3A_182 = arith.select %gt3A_181, %select_n3A_167, %select_n3A_163 : vector<128x1024xi1>, vector<128x1024xf32>
    %select_n3A_183 = arith.select %gt3A_181, %select_n3A_163, %select_n3A_167 : vector<128x1024xi1>, vector<128x1024xf32>
    %select_n3A_184 = arith.select %gt3A_181, %select_n3A_169, %select_n3A_165 : vector<128x1024xi1>, vector<128x1024xi32>
    %select_n3A_185 = arith.select %gt3A_181, %select_n3A_165, %select_n3A_169 : vector<128x1024xi1>, vector<128x1024xi32>
    %gt3A_186 = arith.cmpf ogt, %select_n3A_172, %select_n3A_168 : vector<128x1024xf32>
    %select_n3A_187 = arith.select %gt3A_186, %select_n3A_172, %select_n3A_168 : vector<128x1024xi1>, vector<128x1024xf32>
    %select_n3A_188 = arith.select %gt3A_186, %select_n3A_168, %select_n3A_172 : vector<128x1024xi1>, vector<128x1024xf32>
    %select_n3A_189 = arith.select %gt3A_186, %select_n3A_174, %select_n3A_170 : vector<128x1024xi1>, vector<128x1024xi32>
    %select_n3A_190 = arith.select %gt3A_186, %select_n3A_170, %select_n3A_174 : vector<128x1024xi1>, vector<128x1024xi32>
    %reduce_max3A = arith.constant dense<0xFF800000> : vector<1024xf32>
    %reduce_max3A_191 = vector.multi_reduction <maximumf>, %select_n3A_157, %reduce_max3A [0] : vector<128x1024xf32> to vector<1024xf32>
    %broadcast_in_dim3A = vector.shape_cast %reduce_max3A_191 : vector<1024xf32> to vector<1x1024xf32>
    %eq3A = vector.broadcast %broadcast_in_dim3A : vector<1x1024xf32> to vector<128x1024xf32>
    %eq3A_192 = arith.cmpf oeq, %select_n3A_157, %eq3A : vector<128x1024xf32>
    %jit3A = arith.constant 1024 : i32
    %broadcast_in_dim3A_193 = vector.broadcast %jit3A : i32 to vector<128x1024xi32>
    %select_n3A_194 = arith.select %eq3A_192, %select_n3A_159, %broadcast_in_dim3A_193 : vector<128x1024xi1>, vector<128x1024xi32>
    %reduce_min3A = arith.constant dense<2147483647> : vector<1024xi32>
    %reduce_min3A_195 = vector.multi_reduction <minsi>, %select_n3A_194, %reduce_min3A [0] : vector<128x1024xi32> to vector<1024xi32>
    %broadcast_in_dim3A_196 = vector.shape_cast %reduce_min3A_195 : vector<1024xi32> to vector<1x1024xi32>
    %eq3A_197 = vector.broadcast %broadcast_in_dim3A_196 : vector<1x1024xi32> to vector<128x1024xi32>
    %eq3A_198 = arith.cmpi eq, %select_n3A_159, %eq3A_197 : vector<128x1024xi32>
    %and3A = arith.andi %eq3A_192, %eq3A_198 : vector<128x1024xi1>
    %select_n3A_199 = arith.select %and3A, %select_n3A_177, %select_n3A_157 : vector<128x1024xi1>, vector<128x1024xf32>
    %select_n3A_200 = arith.select %and3A, %select_n3A_179, %select_n3A_159 : vector<128x1024xi1>, vector<128x1024xi32>
    %select_n3A_201 = arith.select %and3A, %select_n3A_178, %select_n3A_177 : vector<128x1024xi1>, vector<128x1024xf32>
    %select_n3A_202 = arith.select %and3A, %select_n3A_180, %select_n3A_179 : vector<128x1024xi1>, vector<128x1024xi32>
    %select_n3A_203 = arith.select %and3A, %select_n3A_182, %select_n3A_178 : vector<128x1024xi1>, vector<128x1024xf32>
    %select_n3A_204 = arith.select %and3A, %select_n3A_184, %select_n3A_180 : vector<128x1024xi1>, vector<128x1024xi32>
    %select_n3A_205 = arith.select %and3A, %select_n3A_183, %select_n3A_182 : vector<128x1024xi1>, vector<128x1024xf32>
    %select_n3A_206 = arith.select %and3A, %select_n3A_185, %select_n3A_184 : vector<128x1024xi1>, vector<128x1024xi32>
    %select_n3A_207 = arith.select %and3A, %select_n3A_187, %select_n3A_183 : vector<128x1024xi1>, vector<128x1024xf32>
    %select_n3A_208 = arith.select %and3A, %select_n3A_189, %select_n3A_185 : vector<128x1024xi1>, vector<128x1024xi32>
    %select_n3A_209 = arith.select %and3A, %select_n3A_188, %select_n3A_187 : vector<128x1024xi1>, vector<128x1024xf32>
    %select_n3A_210 = arith.select %and3A, %select_n3A_190, %select_n3A_189 : vector<128x1024xi1>, vector<128x1024xi32>
    %select_n3A_211 = arith.select %and3A, %select_n3A_173, %select_n3A_188 : vector<128x1024xi1>, vector<128x1024xf32>
    %select_n3A_212 = arith.select %and3A, %select_n3A_175, %select_n3A_190 : vector<128x1024xi1>, vector<128x1024xi32>
    %jit3A_213 = arith.constant 0xFF800000 : f32
    %broadcast_in_dim3A_214 = vector.broadcast %jit3A_213 : f32 to vector<128x1024xf32>
    %select_n3A_215 = arith.select %and3A, %broadcast_in_dim3A_214, %select_n3A_173 : vector<128x1024xi1>, vector<128x1024xf32>
    %reduce_max3A_216 = arith.constant dense<0xFF800000> : vector<1024xf32>
    %reduce_max3A_217 = vector.multi_reduction <maximumf>, %select_n3A_199, %reduce_max3A_216 [0] : vector<128x1024xf32> to vector<1024xf32>
    %broadcast_in_dim3A_218 = vector.shape_cast %reduce_max3A_217 : vector<1024xf32> to vector<1x1024xf32>
    %eq3A_219 = vector.broadcast %broadcast_in_dim3A_218 : vector<1x1024xf32> to vector<128x1024xf32>
    %eq3A_220 = arith.cmpf oeq, %select_n3A_199, %eq3A_219 : vector<128x1024xf32>
    %jit3A_221 = arith.constant 1024 : i32
    %broadcast_in_dim3A_222 = vector.broadcast %jit3A_221 : i32 to vector<128x1024xi32>
    %select_n3A_223 = arith.select %eq3A_220, %select_n3A_200, %broadcast_in_dim3A_222 : vector<128x1024xi1>, vector<128x1024xi32>
    %reduce_min3A_224 = arith.constant dense<2147483647> : vector<1024xi32>
    %reduce_min3A_225 = vector.multi_reduction <minsi>, %select_n3A_223, %reduce_min3A_224 [0] : vector<128x1024xi32> to vector<1024xi32>
    %broadcast_in_dim3A_226 = vector.shape_cast %reduce_min3A_225 : vector<1024xi32> to vector<1x1024xi32>
    %eq3A_227 = vector.broadcast %broadcast_in_dim3A_226 : vector<1x1024xi32> to vector<128x1024xi32>
    %eq3A_228 = arith.cmpi eq, %select_n3A_200, %eq3A_227 : vector<128x1024xi32>
    %and3A_229 = arith.andi %eq3A_220, %eq3A_228 : vector<128x1024xi1>
    %select_n3A_230 = arith.select %and3A_229, %select_n3A_201, %select_n3A_199 : vector<128x1024xi1>, vector<128x1024xf32>
    %select_n3A_231 = arith.select %and3A_229, %select_n3A_202, %select_n3A_200 : vector<128x1024xi1>, vector<128x1024xi32>
    %select_n3A_232 = arith.select %and3A_229, %select_n3A_203, %select_n3A_201 : vector<128x1024xi1>, vector<128x1024xf32>
    %select_n3A_233 = arith.select %and3A_229, %select_n3A_204, %select_n3A_202 : vector<128x1024xi1>, vector<128x1024xi32>
    %select_n3A_234 = arith.select %and3A_229, %select_n3A_205, %select_n3A_203 : vector<128x1024xi1>, vector<128x1024xf32>
    %select_n3A_235 = arith.select %and3A_229, %select_n3A_206, %select_n3A_204 : vector<128x1024xi1>, vector<128x1024xi32>
    %select_n3A_236 = arith.select %and3A_229, %select_n3A_207, %select_n3A_205 : vector<128x1024xi1>, vector<128x1024xf32>
    %select_n3A_237 = arith.select %and3A_229, %select_n3A_208, %select_n3A_206 : vector<128x1024xi1>, vector<128x1024xi32>
    %select_n3A_238 = arith.select %and3A_229, %select_n3A_209, %select_n3A_207 : vector<128x1024xi1>, vector<128x1024xf32>
    %select_n3A_239 = arith.select %and3A_229, %select_n3A_210, %select_n3A_208 : vector<128x1024xi1>, vector<128x1024xi32>
    %select_n3A_240 = arith.select %and3A_229, %select_n3A_211, %select_n3A_209 : vector<128x1024xi1>, vector<128x1024xf32>
    %select_n3A_241 = arith.select %and3A_229, %select_n3A_212, %select_n3A_210 : vector<128x1024xi1>, vector<128x1024xi32>
    %select_n3A_242 = arith.select %and3A_229, %select_n3A_215, %select_n3A_211 : vector<128x1024xi1>, vector<128x1024xf32>
    %select_n3A_243 = arith.select %and3A_229, %select_n3A_175, %select_n3A_212 : vector<128x1024xi1>, vector<128x1024xi32>
    %jit3A_244 = arith.constant 0xFF800000 : f32
    %broadcast_in_dim3A_245 = vector.broadcast %jit3A_244 : f32 to vector<128x1024xf32>
    %select_n3A_246 = arith.select %and3A_229, %broadcast_in_dim3A_245, %select_n3A_215 : vector<128x1024xi1>, vector<128x1024xf32>
    %reduce_max3A_247 = arith.constant dense<0xFF800000> : vector<1024xf32>
    %reduce_max3A_248 = vector.multi_reduction <maximumf>, %select_n3A_230, %reduce_max3A_247 [0] : vector<128x1024xf32> to vector<1024xf32>
    %broadcast_in_dim3A_249 = vector.shape_cast %reduce_max3A_248 : vector<1024xf32> to vector<1x1024xf32>
    %eq3A_250 = vector.broadcast %broadcast_in_dim3A_249 : vector<1x1024xf32> to vector<128x1024xf32>
    %eq3A_251 = arith.cmpf oeq, %select_n3A_230, %eq3A_250 : vector<128x1024xf32>
    %jit3A_252 = arith.constant 1024 : i32
    %broadcast_in_dim3A_253 = vector.broadcast %jit3A_252 : i32 to vector<128x1024xi32>
    %select_n3A_254 = arith.select %eq3A_251, %select_n3A_231, %broadcast_in_dim3A_253 : vector<128x1024xi1>, vector<128x1024xi32>
    %reduce_min3A_255 = arith.constant dense<2147483647> : vector<1024xi32>
    %reduce_min3A_256 = vector.multi_reduction <minsi>, %select_n3A_254, %reduce_min3A_255 [0] : vector<128x1024xi32> to vector<1024xi32>
    %broadcast_in_dim3A_257 = vector.shape_cast %reduce_min3A_256 : vector<1024xi32> to vector<1x1024xi32>
    %eq3A_258 = vector.broadcast %broadcast_in_dim3A_257 : vector<1x1024xi32> to vector<128x1024xi32>
    %eq3A_259 = arith.cmpi eq, %select_n3A_231, %eq3A_258 : vector<128x1024xi32>
    %and3A_260 = arith.andi %eq3A_251, %eq3A_259 : vector<128x1024xi1>
    %select_n3A_261 = arith.select %and3A_260, %select_n3A_232, %select_n3A_230 : vector<128x1024xi1>, vector<128x1024xf32>
    %select_n3A_262 = arith.select %and3A_260, %select_n3A_233, %select_n3A_231 : vector<128x1024xi1>, vector<128x1024xi32>
    %select_n3A_263 = arith.select %and3A_260, %select_n3A_234, %select_n3A_232 : vector<128x1024xi1>, vector<128x1024xf32>
    %select_n3A_264 = arith.select %and3A_260, %select_n3A_235, %select_n3A_233 : vector<128x1024xi1>, vector<128x1024xi32>
    %select_n3A_265 = arith.select %and3A_260, %select_n3A_236, %select_n3A_234 : vector<128x1024xi1>, vector<128x1024xf32>
    %select_n3A_266 = arith.select %and3A_260, %select_n3A_237, %select_n3A_235 : vector<128x1024xi1>, vector<128x1024xi32>
    %select_n3A_267 = arith.select %and3A_260, %select_n3A_238, %select_n3A_236 : vector<128x1024xi1>, vector<128x1024xf32>
    %select_n3A_268 = arith.select %and3A_260, %select_n3A_239, %select_n3A_237 : vector<128x1024xi1>, vector<128x1024xi32>
    %select_n3A_269 = arith.select %and3A_260, %select_n3A_240, %select_n3A_238 : vector<128x1024xi1>, vector<128x1024xf32>
    %select_n3A_270 = arith.select %and3A_260, %select_n3A_241, %select_n3A_239 : vector<128x1024xi1>, vector<128x1024xi32>
    %select_n3A_271 = arith.select %and3A_260, %select_n3A_242, %select_n3A_240 : vector<128x1024xi1>, vector<128x1024xf32>
    %select_n3A_272 = arith.select %and3A_260, %select_n3A_243, %select_n3A_241 : vector<128x1024xi1>, vector<128x1024xi32>
    %select_n3A_273 = arith.select %and3A_260, %select_n3A_246, %select_n3A_242 : vector<128x1024xi1>, vector<128x1024xf32>
    %select_n3A_274 = arith.select %and3A_260, %select_n3A_175, %select_n3A_243 : vector<128x1024xi1>, vector<128x1024xi32>
    %jit3A_275 = arith.constant 0xFF800000 : f32
    %broadcast_in_dim3A_276 = vector.broadcast %jit3A_275 : f32 to vector<128x1024xf32>
    %select_n3A_277 = arith.select %and3A_260, %broadcast_in_dim3A_276, %select_n3A_246 : vector<128x1024xi1>, vector<128x1024xf32>
    %reduce_max3A_278 = arith.constant dense<0xFF800000> : vector<1024xf32>
    %reduce_max3A_279 = vector.multi_reduction <maximumf>, %select_n3A_261, %reduce_max3A_278 [0] : vector<128x1024xf32> to vector<1024xf32>
    %broadcast_in_dim3A_280 = vector.shape_cast %reduce_max3A_279 : vector<1024xf32> to vector<1x1024xf32>
    %eq3A_281 = vector.broadcast %broadcast_in_dim3A_280 : vector<1x1024xf32> to vector<128x1024xf32>
    %eq3A_282 = arith.cmpf oeq, %select_n3A_261, %eq3A_281 : vector<128x1024xf32>
    %jit3A_283 = arith.constant 1024 : i32
    %broadcast_in_dim3A_284 = vector.broadcast %jit3A_283 : i32 to vector<128x1024xi32>
    %select_n3A_285 = arith.select %eq3A_282, %select_n3A_262, %broadcast_in_dim3A_284 : vector<128x1024xi1>, vector<128x1024xi32>
    %reduce_min3A_286 = arith.constant dense<2147483647> : vector<1024xi32>
    %reduce_min3A_287 = vector.multi_reduction <minsi>, %select_n3A_285, %reduce_min3A_286 [0] : vector<128x1024xi32> to vector<1024xi32>
    %broadcast_in_dim3A_288 = vector.shape_cast %reduce_min3A_287 : vector<1024xi32> to vector<1x1024xi32>
    %eq3A_289 = vector.broadcast %broadcast_in_dim3A_288 : vector<1x1024xi32> to vector<128x1024xi32>
    %eq3A_290 = arith.cmpi eq, %select_n3A_262, %eq3A_289 : vector<128x1024xi32>
    %and3A_291 = arith.andi %eq3A_282, %eq3A_290 : vector<128x1024xi1>
    %select_n3A_292 = arith.select %and3A_291, %select_n3A_263, %select_n3A_261 : vector<128x1024xi1>, vector<128x1024xf32>
    %select_n3A_293 = arith.select %and3A_291, %select_n3A_264, %select_n3A_262 : vector<128x1024xi1>, vector<128x1024xi32>
    %select_n3A_294 = arith.select %and3A_291, %select_n3A_265, %select_n3A_263 : vector<128x1024xi1>, vector<128x1024xf32>
    %select_n3A_295 = arith.select %and3A_291, %select_n3A_266, %select_n3A_264 : vector<128x1024xi1>, vector<128x1024xi32>
    %select_n3A_296 = arith.select %and3A_291, %select_n3A_267, %select_n3A_265 : vector<128x1024xi1>, vector<128x1024xf32>
    %select_n3A_297 = arith.select %and3A_291, %select_n3A_268, %select_n3A_266 : vector<128x1024xi1>, vector<128x1024xi32>
    %select_n3A_298 = arith.select %and3A_291, %select_n3A_269, %select_n3A_267 : vector<128x1024xi1>, vector<128x1024xf32>
    %select_n3A_299 = arith.select %and3A_291, %select_n3A_270, %select_n3A_268 : vector<128x1024xi1>, vector<128x1024xi32>
    %select_n3A_300 = arith.select %and3A_291, %select_n3A_271, %select_n3A_269 : vector<128x1024xi1>, vector<128x1024xf32>
    %select_n3A_301 = arith.select %and3A_291, %select_n3A_272, %select_n3A_270 : vector<128x1024xi1>, vector<128x1024xi32>
    %select_n3A_302 = arith.select %and3A_291, %select_n3A_273, %select_n3A_271 : vector<128x1024xi1>, vector<128x1024xf32>
    %select_n3A_303 = arith.select %and3A_291, %select_n3A_274, %select_n3A_272 : vector<128x1024xi1>, vector<128x1024xi32>
    %select_n3A_304 = arith.select %and3A_291, %select_n3A_277, %select_n3A_273 : vector<128x1024xi1>, vector<128x1024xf32>
    %select_n3A_305 = arith.select %and3A_291, %select_n3A_175, %select_n3A_274 : vector<128x1024xi1>, vector<128x1024xi32>
    %jit3A_306 = arith.constant 0xFF800000 : f32
    %broadcast_in_dim3A_307 = vector.broadcast %jit3A_306 : f32 to vector<128x1024xf32>
    %select_n3A_308 = arith.select %and3A_291, %broadcast_in_dim3A_307, %select_n3A_277 : vector<128x1024xi1>, vector<128x1024xf32>
    %reduce_max3A_309 = arith.constant dense<0xFF800000> : vector<1024xf32>
    %reduce_max3A_310 = vector.multi_reduction <maximumf>, %select_n3A_292, %reduce_max3A_309 [0] : vector<128x1024xf32> to vector<1024xf32>
    %broadcast_in_dim3A_311 = vector.shape_cast %reduce_max3A_310 : vector<1024xf32> to vector<1x1024xf32>
    %eq3A_312 = vector.broadcast %broadcast_in_dim3A_311 : vector<1x1024xf32> to vector<128x1024xf32>
    %eq3A_313 = arith.cmpf oeq, %select_n3A_292, %eq3A_312 : vector<128x1024xf32>
    %jit3A_314 = arith.constant 1024 : i32
    %broadcast_in_dim3A_315 = vector.broadcast %jit3A_314 : i32 to vector<128x1024xi32>
    %select_n3A_316 = arith.select %eq3A_313, %select_n3A_293, %broadcast_in_dim3A_315 : vector<128x1024xi1>, vector<128x1024xi32>
    %reduce_min3A_317 = arith.constant dense<2147483647> : vector<1024xi32>
    %reduce_min3A_318 = vector.multi_reduction <minsi>, %select_n3A_316, %reduce_min3A_317 [0] : vector<128x1024xi32> to vector<1024xi32>
    %broadcast_in_dim3A_319 = vector.shape_cast %reduce_min3A_318 : vector<1024xi32> to vector<1x1024xi32>
    %eq3A_320 = vector.broadcast %broadcast_in_dim3A_319 : vector<1x1024xi32> to vector<128x1024xi32>
    %eq3A_321 = arith.cmpi eq, %select_n3A_293, %eq3A_320 : vector<128x1024xi32>
    %and3A_322 = arith.andi %eq3A_313, %eq3A_321 : vector<128x1024xi1>
    %select_n3A_323 = arith.select %and3A_322, %select_n3A_294, %select_n3A_292 : vector<128x1024xi1>, vector<128x1024xf32>
    %select_n3A_324 = arith.select %and3A_322, %select_n3A_295, %select_n3A_293 : vector<128x1024xi1>, vector<128x1024xi32>
    %select_n3A_325 = arith.select %and3A_322, %select_n3A_296, %select_n3A_294 : vector<128x1024xi1>, vector<128x1024xf32>
    %select_n3A_326 = arith.select %and3A_322, %select_n3A_297, %select_n3A_295 : vector<128x1024xi1>, vector<128x1024xi32>
    %select_n3A_327 = arith.select %and3A_322, %select_n3A_298, %select_n3A_296 : vector<128x1024xi1>, vector<128x1024xf32>
    %select_n3A_328 = arith.select %and3A_322, %select_n3A_299, %select_n3A_297 : vector<128x1024xi1>, vector<128x1024xi32>
    %select_n3A_329 = arith.select %and3A_322, %select_n3A_300, %select_n3A_298 : vector<128x1024xi1>, vector<128x1024xf32>
    %select_n3A_330 = arith.select %and3A_322, %select_n3A_301, %select_n3A_299 : vector<128x1024xi1>, vector<128x1024xi32>
    %select_n3A_331 = arith.select %and3A_322, %select_n3A_302, %select_n3A_300 : vector<128x1024xi1>, vector<128x1024xf32>
    %select_n3A_332 = arith.select %and3A_322, %select_n3A_303, %select_n3A_301 : vector<128x1024xi1>, vector<128x1024xi32>
    %select_n3A_333 = arith.select %and3A_322, %select_n3A_304, %select_n3A_302 : vector<128x1024xi1>, vector<128x1024xf32>
    %select_n3A_334 = arith.select %and3A_322, %select_n3A_305, %select_n3A_303 : vector<128x1024xi1>, vector<128x1024xi32>
    %select_n3A_335 = arith.select %and3A_322, %select_n3A_308, %select_n3A_304 : vector<128x1024xi1>, vector<128x1024xf32>
    %select_n3A_336 = arith.select %and3A_322, %select_n3A_175, %select_n3A_305 : vector<128x1024xi1>, vector<128x1024xi32>
    %jit3A_337 = arith.constant 0xFF800000 : f32
    %broadcast_in_dim3A_338 = vector.broadcast %jit3A_337 : f32 to vector<128x1024xf32>
    %select_n3A_339 = arith.select %and3A_322, %broadcast_in_dim3A_338, %select_n3A_308 : vector<128x1024xi1>, vector<128x1024xf32>
    %reduce_max3A_340 = arith.constant dense<0xFF800000> : vector<1024xf32>
    %reduce_max3A_341 = vector.multi_reduction <maximumf>, %select_n3A_323, %reduce_max3A_340 [0] : vector<128x1024xf32> to vector<1024xf32>
    %broadcast_in_dim3A_342 = vector.shape_cast %reduce_max3A_341 : vector<1024xf32> to vector<1x1024xf32>
    %eq3A_343 = vector.broadcast %broadcast_in_dim3A_342 : vector<1x1024xf32> to vector<128x1024xf32>
    %eq3A_344 = arith.cmpf oeq, %select_n3A_323, %eq3A_343 : vector<128x1024xf32>
    %jit3A_345 = arith.constant 1024 : i32
    %broadcast_in_dim3A_346 = vector.broadcast %jit3A_345 : i32 to vector<128x1024xi32>
    %select_n3A_347 = arith.select %eq3A_344, %select_n3A_324, %broadcast_in_dim3A_346 : vector<128x1024xi1>, vector<128x1024xi32>
    %reduce_min3A_348 = arith.constant dense<2147483647> : vector<1024xi32>
    %reduce_min3A_349 = vector.multi_reduction <minsi>, %select_n3A_347, %reduce_min3A_348 [0] : vector<128x1024xi32> to vector<1024xi32>
    %broadcast_in_dim3A_350 = vector.shape_cast %reduce_min3A_349 : vector<1024xi32> to vector<1x1024xi32>
    %eq3A_351 = vector.broadcast %broadcast_in_dim3A_350 : vector<1x1024xi32> to vector<128x1024xi32>
    %eq3A_352 = arith.cmpi eq, %select_n3A_324, %eq3A_351 : vector<128x1024xi32>
    %and3A_353 = arith.andi %eq3A_344, %eq3A_352 : vector<128x1024xi1>
    %select_n3A_354 = arith.select %and3A_353, %select_n3A_325, %select_n3A_323 : vector<128x1024xi1>, vector<128x1024xf32>
    %select_n3A_355 = arith.select %and3A_353, %select_n3A_326, %select_n3A_324 : vector<128x1024xi1>, vector<128x1024xi32>
    %select_n3A_356 = arith.select %and3A_353, %select_n3A_327, %select_n3A_325 : vector<128x1024xi1>, vector<128x1024xf32>
    %select_n3A_357 = arith.select %and3A_353, %select_n3A_328, %select_n3A_326 : vector<128x1024xi1>, vector<128x1024xi32>
    %select_n3A_358 = arith.select %and3A_353, %select_n3A_329, %select_n3A_327 : vector<128x1024xi1>, vector<128x1024xf32>
    %select_n3A_359 = arith.select %and3A_353, %select_n3A_330, %select_n3A_328 : vector<128x1024xi1>, vector<128x1024xi32>
    %select_n3A_360 = arith.select %and3A_353, %select_n3A_331, %select_n3A_329 : vector<128x1024xi1>, vector<128x1024xf32>
    %select_n3A_361 = arith.select %and3A_353, %select_n3A_332, %select_n3A_330 : vector<128x1024xi1>, vector<128x1024xi32>
    %select_n3A_362 = arith.select %and3A_353, %select_n3A_333, %select_n3A_331 : vector<128x1024xi1>, vector<128x1024xf32>
    %select_n3A_363 = arith.select %and3A_353, %select_n3A_334, %select_n3A_332 : vector<128x1024xi1>, vector<128x1024xi32>
    %select_n3A_364 = arith.select %and3A_353, %select_n3A_335, %select_n3A_333 : vector<128x1024xi1>, vector<128x1024xf32>
    %select_n3A_365 = arith.select %and3A_353, %select_n3A_336, %select_n3A_334 : vector<128x1024xi1>, vector<128x1024xi32>
    %select_n3A_366 = arith.select %and3A_353, %select_n3A_339, %select_n3A_335 : vector<128x1024xi1>, vector<128x1024xf32>
    %select_n3A_367 = arith.select %and3A_353, %select_n3A_175, %select_n3A_336 : vector<128x1024xi1>, vector<128x1024xi32>
    %jit3A_368 = arith.constant 0xFF800000 : f32
    %broadcast_in_dim3A_369 = vector.broadcast %jit3A_368 : f32 to vector<128x1024xf32>
    %select_n3A_370 = arith.select %and3A_353, %broadcast_in_dim3A_369, %select_n3A_339 : vector<128x1024xi1>, vector<128x1024xf32>
    %reduce_max3A_371 = arith.constant dense<0xFF800000> : vector<1024xf32>
    %reduce_max3A_372 = vector.multi_reduction <maximumf>, %select_n3A_354, %reduce_max3A_371 [0] : vector<128x1024xf32> to vector<1024xf32>
    %broadcast_in_dim3A_373 = vector.shape_cast %reduce_max3A_372 : vector<1024xf32> to vector<1x1024xf32>
    %eq3A_374 = vector.broadcast %broadcast_in_dim3A_373 : vector<1x1024xf32> to vector<128x1024xf32>
    %eq3A_375 = arith.cmpf oeq, %select_n3A_354, %eq3A_374 : vector<128x1024xf32>
    %jit3A_376 = arith.constant 1024 : i32
    %broadcast_in_dim3A_377 = vector.broadcast %jit3A_376 : i32 to vector<128x1024xi32>
    %select_n3A_378 = arith.select %eq3A_375, %select_n3A_355, %broadcast_in_dim3A_377 : vector<128x1024xi1>, vector<128x1024xi32>
    %reduce_min3A_379 = arith.constant dense<2147483647> : vector<1024xi32>
    %reduce_min3A_380 = vector.multi_reduction <minsi>, %select_n3A_378, %reduce_min3A_379 [0] : vector<128x1024xi32> to vector<1024xi32>
    %broadcast_in_dim3A_381 = vector.shape_cast %reduce_min3A_380 : vector<1024xi32> to vector<1x1024xi32>
    %eq3A_382 = vector.broadcast %broadcast_in_dim3A_381 : vector<1x1024xi32> to vector<128x1024xi32>
    %eq3A_383 = arith.cmpi eq, %select_n3A_355, %eq3A_382 : vector<128x1024xi32>
    %and3A_384 = arith.andi %eq3A_375, %eq3A_383 : vector<128x1024xi1>
    %select_n3A_385 = arith.select %and3A_384, %select_n3A_356, %select_n3A_354 : vector<128x1024xi1>, vector<128x1024xf32>
    %select_n3A_386 = arith.select %and3A_384, %select_n3A_357, %select_n3A_355 : vector<128x1024xi1>, vector<128x1024xi32>
    %select_n3A_387 = arith.select %and3A_384, %select_n3A_358, %select_n3A_356 : vector<128x1024xi1>, vector<128x1024xf32>
    %select_n3A_388 = arith.select %and3A_384, %select_n3A_359, %select_n3A_357 : vector<128x1024xi1>, vector<128x1024xi32>
    %select_n3A_389 = arith.select %and3A_384, %select_n3A_360, %select_n3A_358 : vector<128x1024xi1>, vector<128x1024xf32>
    %select_n3A_390 = arith.select %and3A_384, %select_n3A_361, %select_n3A_359 : vector<128x1024xi1>, vector<128x1024xi32>
    %select_n3A_391 = arith.select %and3A_384, %select_n3A_362, %select_n3A_360 : vector<128x1024xi1>, vector<128x1024xf32>
    %select_n3A_392 = arith.select %and3A_384, %select_n3A_363, %select_n3A_361 : vector<128x1024xi1>, vector<128x1024xi32>
    %select_n3A_393 = arith.select %and3A_384, %select_n3A_364, %select_n3A_362 : vector<128x1024xi1>, vector<128x1024xf32>
    %select_n3A_394 = arith.select %and3A_384, %select_n3A_365, %select_n3A_363 : vector<128x1024xi1>, vector<128x1024xi32>
    %select_n3A_395 = arith.select %and3A_384, %select_n3A_366, %select_n3A_364 : vector<128x1024xi1>, vector<128x1024xf32>
    %select_n3A_396 = arith.select %and3A_384, %select_n3A_367, %select_n3A_365 : vector<128x1024xi1>, vector<128x1024xi32>
    %select_n3A_397 = arith.select %and3A_384, %select_n3A_370, %select_n3A_366 : vector<128x1024xi1>, vector<128x1024xf32>
    %select_n3A_398 = arith.select %and3A_384, %select_n3A_175, %select_n3A_367 : vector<128x1024xi1>, vector<128x1024xi32>
    %jit3A_399 = arith.constant 0xFF800000 : f32
    %broadcast_in_dim3A_400 = vector.broadcast %jit3A_399 : f32 to vector<128x1024xf32>
    %select_n3A_401 = arith.select %and3A_384, %broadcast_in_dim3A_400, %select_n3A_370 : vector<128x1024xi1>, vector<128x1024xf32>
    %reduce_max3A_402 = arith.constant dense<0xFF800000> : vector<1024xf32>
    %reduce_max3A_403 = vector.multi_reduction <maximumf>, %select_n3A_385, %reduce_max3A_402 [0] : vector<128x1024xf32> to vector<1024xf32>
    %broadcast_in_dim3A_404 = vector.shape_cast %reduce_max3A_403 : vector<1024xf32> to vector<1x1024xf32>
    %eq3A_405 = vector.broadcast %broadcast_in_dim3A_404 : vector<1x1024xf32> to vector<128x1024xf32>
    %eq3A_406 = arith.cmpf oeq, %select_n3A_385, %eq3A_405 : vector<128x1024xf32>
    %jit3A_407 = arith.constant 1024 : i32
    %broadcast_in_dim3A_408 = vector.broadcast %jit3A_407 : i32 to vector<128x1024xi32>
    %select_n3A_409 = arith.select %eq3A_406, %select_n3A_386, %broadcast_in_dim3A_408 : vector<128x1024xi1>, vector<128x1024xi32>
    %reduce_min3A_410 = arith.constant dense<2147483647> : vector<1024xi32>
    %reduce_min3A_411 = vector.multi_reduction <minsi>, %select_n3A_409, %reduce_min3A_410 [0] : vector<128x1024xi32> to vector<1024xi32>
    %broadcast_in_dim3A_412 = vector.shape_cast %reduce_min3A_411 : vector<1024xi32> to vector<1x1024xi32>
    %eq3A_413 = vector.broadcast %broadcast_in_dim3A_412 : vector<1x1024xi32> to vector<128x1024xi32>
    %eq3A_414 = arith.cmpi eq, %select_n3A_386, %eq3A_413 : vector<128x1024xi32>
    %and3A_415 = arith.andi %eq3A_406, %eq3A_414 : vector<128x1024xi1>
    %select_n3A_416 = arith.select %and3A_415, %select_n3A_387, %select_n3A_385 : vector<128x1024xi1>, vector<128x1024xf32>
    %select_n3A_417 = arith.select %and3A_415, %select_n3A_388, %select_n3A_386 : vector<128x1024xi1>, vector<128x1024xi32>
    %select_n3A_418 = arith.select %and3A_415, %select_n3A_389, %select_n3A_387 : vector<128x1024xi1>, vector<128x1024xf32>
    %select_n3A_419 = arith.select %and3A_415, %select_n3A_390, %select_n3A_388 : vector<128x1024xi1>, vector<128x1024xi32>
    %select_n3A_420 = arith.select %and3A_415, %select_n3A_391, %select_n3A_389 : vector<128x1024xi1>, vector<128x1024xf32>
    %select_n3A_421 = arith.select %and3A_415, %select_n3A_392, %select_n3A_390 : vector<128x1024xi1>, vector<128x1024xi32>
    %select_n3A_422 = arith.select %and3A_415, %select_n3A_393, %select_n3A_391 : vector<128x1024xi1>, vector<128x1024xf32>
    %select_n3A_423 = arith.select %and3A_415, %select_n3A_394, %select_n3A_392 : vector<128x1024xi1>, vector<128x1024xi32>
    %select_n3A_424 = arith.select %and3A_415, %select_n3A_395, %select_n3A_393 : vector<128x1024xi1>, vector<128x1024xf32>
    %select_n3A_425 = arith.select %and3A_415, %select_n3A_396, %select_n3A_394 : vector<128x1024xi1>, vector<128x1024xi32>
    %select_n3A_426 = arith.select %and3A_415, %select_n3A_397, %select_n3A_395 : vector<128x1024xi1>, vector<128x1024xf32>
    %select_n3A_427 = arith.select %and3A_415, %select_n3A_398, %select_n3A_396 : vector<128x1024xi1>, vector<128x1024xi32>
    %select_n3A_428 = arith.select %and3A_415, %select_n3A_401, %select_n3A_397 : vector<128x1024xi1>, vector<128x1024xf32>
    %select_n3A_429 = arith.select %and3A_415, %select_n3A_175, %select_n3A_398 : vector<128x1024xi1>, vector<128x1024xi32>
    %jit3A_430 = arith.constant 0xFF800000 : f32
    %broadcast_in_dim3A_431 = vector.broadcast %jit3A_430 : f32 to vector<128x1024xf32>
    %select_n3A_432 = arith.select %and3A_415, %broadcast_in_dim3A_431, %select_n3A_401 : vector<128x1024xi1>, vector<128x1024xf32>
    %reduce_max3A_433 = arith.constant dense<0xFF800000> : vector<1024xf32>
    %reduce_max3A_434 = vector.multi_reduction <maximumf>, %select_n3A_416, %reduce_max3A_433 [0] : vector<128x1024xf32> to vector<1024xf32>
    %broadcast_in_dim3A_435 = vector.shape_cast %reduce_max3A_434 : vector<1024xf32> to vector<1x1024xf32>
    %eq3A_436 = vector.broadcast %broadcast_in_dim3A_435 : vector<1x1024xf32> to vector<128x1024xf32>
    %eq3A_437 = arith.cmpf oeq, %select_n3A_416, %eq3A_436 : vector<128x1024xf32>
    %jit3A_438 = arith.constant 1024 : i32
    %broadcast_in_dim3A_439 = vector.broadcast %jit3A_438 : i32 to vector<128x1024xi32>
    %select_n3A_440 = arith.select %eq3A_437, %select_n3A_417, %broadcast_in_dim3A_439 : vector<128x1024xi1>, vector<128x1024xi32>
    %reduce_min3A_441 = arith.constant dense<2147483647> : vector<1024xi32>
    %reduce_min3A_442 = vector.multi_reduction <minsi>, %select_n3A_440, %reduce_min3A_441 [0] : vector<128x1024xi32> to vector<1024xi32>
    %broadcast_in_dim3A_443 = vector.shape_cast %reduce_min3A_442 : vector<1024xi32> to vector<1x1024xi32>
    %eq3A_444 = vector.broadcast %broadcast_in_dim3A_443 : vector<1x1024xi32> to vector<128x1024xi32>
    %eq3A_445 = arith.cmpi eq, %select_n3A_417, %eq3A_444 : vector<128x1024xi32>
    %and3A_446 = arith.andi %eq3A_437, %eq3A_445 : vector<128x1024xi1>
    %select_n3A_447 = arith.select %and3A_446, %select_n3A_418, %select_n3A_416 : vector<128x1024xi1>, vector<128x1024xf32>
    %select_n3A_448 = arith.select %and3A_446, %select_n3A_419, %select_n3A_417 : vector<128x1024xi1>, vector<128x1024xi32>
    %select_n3A_449 = arith.select %and3A_446, %select_n3A_420, %select_n3A_418 : vector<128x1024xi1>, vector<128x1024xf32>
    %select_n3A_450 = arith.select %and3A_446, %select_n3A_421, %select_n3A_419 : vector<128x1024xi1>, vector<128x1024xi32>
    %select_n3A_451 = arith.select %and3A_446, %select_n3A_422, %select_n3A_420 : vector<128x1024xi1>, vector<128x1024xf32>
    %select_n3A_452 = arith.select %and3A_446, %select_n3A_423, %select_n3A_421 : vector<128x1024xi1>, vector<128x1024xi32>
    %select_n3A_453 = arith.select %and3A_446, %select_n3A_424, %select_n3A_422 : vector<128x1024xi1>, vector<128x1024xf32>
    %select_n3A_454 = arith.select %and3A_446, %select_n3A_425, %select_n3A_423 : vector<128x1024xi1>, vector<128x1024xi32>
    %select_n3A_455 = arith.select %and3A_446, %select_n3A_426, %select_n3A_424 : vector<128x1024xi1>, vector<128x1024xf32>
    %select_n3A_456 = arith.select %and3A_446, %select_n3A_427, %select_n3A_425 : vector<128x1024xi1>, vector<128x1024xi32>
    %select_n3A_457 = arith.select %and3A_446, %select_n3A_428, %select_n3A_426 : vector<128x1024xi1>, vector<128x1024xf32>
    %select_n3A_458 = arith.select %and3A_446, %select_n3A_429, %select_n3A_427 : vector<128x1024xi1>, vector<128x1024xi32>
    %select_n3A_459 = arith.select %and3A_446, %select_n3A_432, %select_n3A_428 : vector<128x1024xi1>, vector<128x1024xf32>
    %select_n3A_460 = arith.select %and3A_446, %select_n3A_175, %select_n3A_429 : vector<128x1024xi1>, vector<128x1024xi32>
    %jit3A_461 = arith.constant 0xFF800000 : f32
    %broadcast_in_dim3A_462 = vector.broadcast %jit3A_461 : f32 to vector<128x1024xf32>
    %select_n3A_463 = arith.select %and3A_446, %broadcast_in_dim3A_462, %select_n3A_432 : vector<128x1024xi1>, vector<128x1024xf32>
    %reduce_max3A_464 = arith.constant dense<0xFF800000> : vector<1024xf32>
    %reduce_max3A_465 = vector.multi_reduction <maximumf>, %select_n3A_447, %reduce_max3A_464 [0] : vector<128x1024xf32> to vector<1024xf32>
    %broadcast_in_dim3A_466 = vector.shape_cast %reduce_max3A_465 : vector<1024xf32> to vector<1x1024xf32>
    %eq3A_467 = vector.broadcast %broadcast_in_dim3A_466 : vector<1x1024xf32> to vector<128x1024xf32>
    %eq3A_468 = arith.cmpf oeq, %select_n3A_447, %eq3A_467 : vector<128x1024xf32>
    %jit3A_469 = arith.constant 1024 : i32
    %broadcast_in_dim3A_470 = vector.broadcast %jit3A_469 : i32 to vector<128x1024xi32>
    %select_n3A_471 = arith.select %eq3A_468, %select_n3A_448, %broadcast_in_dim3A_470 : vector<128x1024xi1>, vector<128x1024xi32>
    %reduce_min3A_472 = arith.constant dense<2147483647> : vector<1024xi32>
    %reduce_min3A_473 = vector.multi_reduction <minsi>, %select_n3A_471, %reduce_min3A_472 [0] : vector<128x1024xi32> to vector<1024xi32>
    %broadcast_in_dim3A_474 = vector.shape_cast %reduce_min3A_473 : vector<1024xi32> to vector<1x1024xi32>
    %eq3A_475 = vector.broadcast %broadcast_in_dim3A_474 : vector<1x1024xi32> to vector<128x1024xi32>
    %eq3A_476 = arith.cmpi eq, %select_n3A_448, %eq3A_475 : vector<128x1024xi32>
    %and3A_477 = arith.andi %eq3A_468, %eq3A_476 : vector<128x1024xi1>
    %select_n3A_478 = arith.select %and3A_477, %select_n3A_449, %select_n3A_447 : vector<128x1024xi1>, vector<128x1024xf32>
    %select_n3A_479 = arith.select %and3A_477, %select_n3A_450, %select_n3A_448 : vector<128x1024xi1>, vector<128x1024xi32>
    %select_n3A_480 = arith.select %and3A_477, %select_n3A_451, %select_n3A_449 : vector<128x1024xi1>, vector<128x1024xf32>
    %select_n3A_481 = arith.select %and3A_477, %select_n3A_452, %select_n3A_450 : vector<128x1024xi1>, vector<128x1024xi32>
    %select_n3A_482 = arith.select %and3A_477, %select_n3A_453, %select_n3A_451 : vector<128x1024xi1>, vector<128x1024xf32>
    %select_n3A_483 = arith.select %and3A_477, %select_n3A_454, %select_n3A_452 : vector<128x1024xi1>, vector<128x1024xi32>
    %select_n3A_484 = arith.select %and3A_477, %select_n3A_455, %select_n3A_453 : vector<128x1024xi1>, vector<128x1024xf32>
    %select_n3A_485 = arith.select %and3A_477, %select_n3A_456, %select_n3A_454 : vector<128x1024xi1>, vector<128x1024xi32>
    %select_n3A_486 = arith.select %and3A_477, %select_n3A_457, %select_n3A_455 : vector<128x1024xi1>, vector<128x1024xf32>
    %select_n3A_487 = arith.select %and3A_477, %select_n3A_458, %select_n3A_456 : vector<128x1024xi1>, vector<128x1024xi32>
    %select_n3A_488 = arith.select %and3A_477, %select_n3A_459, %select_n3A_457 : vector<128x1024xi1>, vector<128x1024xf32>
    %select_n3A_489 = arith.select %and3A_477, %select_n3A_460, %select_n3A_458 : vector<128x1024xi1>, vector<128x1024xi32>
    %select_n3A_490 = arith.select %and3A_477, %select_n3A_463, %select_n3A_459 : vector<128x1024xi1>, vector<128x1024xf32>
    %select_n3A_491 = arith.select %and3A_477, %select_n3A_175, %select_n3A_460 : vector<128x1024xi1>, vector<128x1024xi32>
    %jit3A_492 = arith.constant 0xFF800000 : f32
    %broadcast_in_dim3A_493 = vector.broadcast %jit3A_492 : f32 to vector<128x1024xf32>
    %select_n3A_494 = arith.select %and3A_477, %broadcast_in_dim3A_493, %select_n3A_463 : vector<128x1024xi1>, vector<128x1024xf32>
    %reduce_max3A_495 = arith.constant dense<0xFF800000> : vector<1024xf32>
    %reduce_max3A_496 = vector.multi_reduction <maximumf>, %select_n3A_478, %reduce_max3A_495 [0] : vector<128x1024xf32> to vector<1024xf32>
    %broadcast_in_dim3A_497 = vector.shape_cast %reduce_max3A_496 : vector<1024xf32> to vector<1x1024xf32>
    %eq3A_498 = vector.broadcast %broadcast_in_dim3A_497 : vector<1x1024xf32> to vector<128x1024xf32>
    %eq3A_499 = arith.cmpf oeq, %select_n3A_478, %eq3A_498 : vector<128x1024xf32>
    %jit3A_500 = arith.constant 1024 : i32
    %broadcast_in_dim3A_501 = vector.broadcast %jit3A_500 : i32 to vector<128x1024xi32>
    %select_n3A_502 = arith.select %eq3A_499, %select_n3A_479, %broadcast_in_dim3A_501 : vector<128x1024xi1>, vector<128x1024xi32>
    %reduce_min3A_503 = arith.constant dense<2147483647> : vector<1024xi32>
    %reduce_min3A_504 = vector.multi_reduction <minsi>, %select_n3A_502, %reduce_min3A_503 [0] : vector<128x1024xi32> to vector<1024xi32>
    %broadcast_in_dim3A_505 = vector.shape_cast %reduce_min3A_504 : vector<1024xi32> to vector<1x1024xi32>
    %eq3A_506 = vector.broadcast %broadcast_in_dim3A_505 : vector<1x1024xi32> to vector<128x1024xi32>
    %eq3A_507 = arith.cmpi eq, %select_n3A_479, %eq3A_506 : vector<128x1024xi32>
    %and3A_508 = arith.andi %eq3A_499, %eq3A_507 : vector<128x1024xi1>
    %select_n3A_509 = arith.select %and3A_508, %select_n3A_480, %select_n3A_478 : vector<128x1024xi1>, vector<128x1024xf32>
    %select_n3A_510 = arith.select %and3A_508, %select_n3A_481, %select_n3A_479 : vector<128x1024xi1>, vector<128x1024xi32>
    %select_n3A_511 = arith.select %and3A_508, %select_n3A_482, %select_n3A_480 : vector<128x1024xi1>, vector<128x1024xf32>
    %select_n3A_512 = arith.select %and3A_508, %select_n3A_483, %select_n3A_481 : vector<128x1024xi1>, vector<128x1024xi32>
    %select_n3A_513 = arith.select %and3A_508, %select_n3A_484, %select_n3A_482 : vector<128x1024xi1>, vector<128x1024xf32>
    %select_n3A_514 = arith.select %and3A_508, %select_n3A_485, %select_n3A_483 : vector<128x1024xi1>, vector<128x1024xi32>
    %select_n3A_515 = arith.select %and3A_508, %select_n3A_486, %select_n3A_484 : vector<128x1024xi1>, vector<128x1024xf32>
    %select_n3A_516 = arith.select %and3A_508, %select_n3A_487, %select_n3A_485 : vector<128x1024xi1>, vector<128x1024xi32>
    %select_n3A_517 = arith.select %and3A_508, %select_n3A_488, %select_n3A_486 : vector<128x1024xi1>, vector<128x1024xf32>
    %select_n3A_518 = arith.select %and3A_508, %select_n3A_489, %select_n3A_487 : vector<128x1024xi1>, vector<128x1024xi32>
    %select_n3A_519 = arith.select %and3A_508, %select_n3A_490, %select_n3A_488 : vector<128x1024xi1>, vector<128x1024xf32>
    %select_n3A_520 = arith.select %and3A_508, %select_n3A_491, %select_n3A_489 : vector<128x1024xi1>, vector<128x1024xi32>
    %select_n3A_521 = arith.select %and3A_508, %select_n3A_494, %select_n3A_490 : vector<128x1024xi1>, vector<128x1024xf32>
    %select_n3A_522 = arith.select %and3A_508, %select_n3A_175, %select_n3A_491 : vector<128x1024xi1>, vector<128x1024xi32>
    %jit3A_523 = arith.constant 0xFF800000 : f32
    %broadcast_in_dim3A_524 = vector.broadcast %jit3A_523 : f32 to vector<128x1024xf32>
    %select_n3A_525 = arith.select %and3A_508, %broadcast_in_dim3A_524, %select_n3A_494 : vector<128x1024xi1>, vector<128x1024xf32>
    %reduce_max3A_526 = arith.constant dense<0xFF800000> : vector<1024xf32>
    %reduce_max3A_527 = vector.multi_reduction <maximumf>, %select_n3A_509, %reduce_max3A_526 [0] : vector<128x1024xf32> to vector<1024xf32>
    %broadcast_in_dim3A_528 = vector.shape_cast %reduce_max3A_527 : vector<1024xf32> to vector<1x1024xf32>
    %eq3A_529 = vector.broadcast %broadcast_in_dim3A_528 : vector<1x1024xf32> to vector<128x1024xf32>
    %eq3A_530 = arith.cmpf oeq, %select_n3A_509, %eq3A_529 : vector<128x1024xf32>
    %jit3A_531 = arith.constant 1024 : i32
    %broadcast_in_dim3A_532 = vector.broadcast %jit3A_531 : i32 to vector<128x1024xi32>
    %select_n3A_533 = arith.select %eq3A_530, %select_n3A_510, %broadcast_in_dim3A_532 : vector<128x1024xi1>, vector<128x1024xi32>
    %reduce_min3A_534 = arith.constant dense<2147483647> : vector<1024xi32>
    %reduce_min3A_535 = vector.multi_reduction <minsi>, %select_n3A_533, %reduce_min3A_534 [0] : vector<128x1024xi32> to vector<1024xi32>
    %broadcast_in_dim3A_536 = vector.shape_cast %reduce_min3A_535 : vector<1024xi32> to vector<1x1024xi32>
    %eq3A_537 = vector.broadcast %broadcast_in_dim3A_536 : vector<1x1024xi32> to vector<128x1024xi32>
    %eq3A_538 = arith.cmpi eq, %select_n3A_510, %eq3A_537 : vector<128x1024xi32>
    %and3A_539 = arith.andi %eq3A_530, %eq3A_538 : vector<128x1024xi1>
    %select_n3A_540 = arith.select %and3A_539, %select_n3A_511, %select_n3A_509 : vector<128x1024xi1>, vector<128x1024xf32>
    %select_n3A_541 = arith.select %and3A_539, %select_n3A_512, %select_n3A_510 : vector<128x1024xi1>, vector<128x1024xi32>
    %select_n3A_542 = arith.select %and3A_539, %select_n3A_513, %select_n3A_511 : vector<128x1024xi1>, vector<128x1024xf32>
    %select_n3A_543 = arith.select %and3A_539, %select_n3A_514, %select_n3A_512 : vector<128x1024xi1>, vector<128x1024xi32>
    %select_n3A_544 = arith.select %and3A_539, %select_n3A_515, %select_n3A_513 : vector<128x1024xi1>, vector<128x1024xf32>
    %select_n3A_545 = arith.select %and3A_539, %select_n3A_516, %select_n3A_514 : vector<128x1024xi1>, vector<128x1024xi32>
    %select_n3A_546 = arith.select %and3A_539, %select_n3A_517, %select_n3A_515 : vector<128x1024xi1>, vector<128x1024xf32>
    %select_n3A_547 = arith.select %and3A_539, %select_n3A_518, %select_n3A_516 : vector<128x1024xi1>, vector<128x1024xi32>
    %select_n3A_548 = arith.select %and3A_539, %select_n3A_519, %select_n3A_517 : vector<128x1024xi1>, vector<128x1024xf32>
    %select_n3A_549 = arith.select %and3A_539, %select_n3A_520, %select_n3A_518 : vector<128x1024xi1>, vector<128x1024xi32>
    %select_n3A_550 = arith.select %and3A_539, %select_n3A_521, %select_n3A_519 : vector<128x1024xi1>, vector<128x1024xf32>
    %select_n3A_551 = arith.select %and3A_539, %select_n3A_522, %select_n3A_520 : vector<128x1024xi1>, vector<128x1024xi32>
    %select_n3A_552 = arith.select %and3A_539, %select_n3A_525, %select_n3A_521 : vector<128x1024xi1>, vector<128x1024xf32>
    %select_n3A_553 = arith.select %and3A_539, %select_n3A_175, %select_n3A_522 : vector<128x1024xi1>, vector<128x1024xi32>
    %jit3A_554 = arith.constant 0xFF800000 : f32
    %broadcast_in_dim3A_555 = vector.broadcast %jit3A_554 : f32 to vector<128x1024xf32>
    %select_n3A_556 = arith.select %and3A_539, %broadcast_in_dim3A_555, %select_n3A_525 : vector<128x1024xi1>, vector<128x1024xf32>
    %reduce_max3A_557 = arith.constant dense<0xFF800000> : vector<1024xf32>
    %reduce_max3A_558 = vector.multi_reduction <maximumf>, %select_n3A_540, %reduce_max3A_557 [0] : vector<128x1024xf32> to vector<1024xf32>
    %broadcast_in_dim3A_559 = vector.shape_cast %reduce_max3A_558 : vector<1024xf32> to vector<1x1024xf32>
    %eq3A_560 = vector.broadcast %broadcast_in_dim3A_559 : vector<1x1024xf32> to vector<128x1024xf32>
    %eq3A_561 = arith.cmpf oeq, %select_n3A_540, %eq3A_560 : vector<128x1024xf32>
    %jit3A_562 = arith.constant 1024 : i32
    %broadcast_in_dim3A_563 = vector.broadcast %jit3A_562 : i32 to vector<128x1024xi32>
    %select_n3A_564 = arith.select %eq3A_561, %select_n3A_541, %broadcast_in_dim3A_563 : vector<128x1024xi1>, vector<128x1024xi32>
    %reduce_min3A_565 = arith.constant dense<2147483647> : vector<1024xi32>
    %reduce_min3A_566 = vector.multi_reduction <minsi>, %select_n3A_564, %reduce_min3A_565 [0] : vector<128x1024xi32> to vector<1024xi32>
    %broadcast_in_dim3A_567 = vector.shape_cast %reduce_min3A_566 : vector<1024xi32> to vector<1x1024xi32>
    %eq3A_568 = vector.broadcast %broadcast_in_dim3A_567 : vector<1x1024xi32> to vector<128x1024xi32>
    %eq3A_569 = arith.cmpi eq, %select_n3A_541, %eq3A_568 : vector<128x1024xi32>
    %and3A_570 = arith.andi %eq3A_561, %eq3A_569 : vector<128x1024xi1>
    %select_n3A_571 = arith.select %and3A_570, %select_n3A_542, %select_n3A_540 : vector<128x1024xi1>, vector<128x1024xf32>
    %select_n3A_572 = arith.select %and3A_570, %select_n3A_543, %select_n3A_541 : vector<128x1024xi1>, vector<128x1024xi32>
    %select_n3A_573 = arith.select %and3A_570, %select_n3A_544, %select_n3A_542 : vector<128x1024xi1>, vector<128x1024xf32>
    %select_n3A_574 = arith.select %and3A_570, %select_n3A_545, %select_n3A_543 : vector<128x1024xi1>, vector<128x1024xi32>
    %select_n3A_575 = arith.select %and3A_570, %select_n3A_546, %select_n3A_544 : vector<128x1024xi1>, vector<128x1024xf32>
    %select_n3A_576 = arith.select %and3A_570, %select_n3A_547, %select_n3A_545 : vector<128x1024xi1>, vector<128x1024xi32>
    %select_n3A_577 = arith.select %and3A_570, %select_n3A_548, %select_n3A_546 : vector<128x1024xi1>, vector<128x1024xf32>
    %select_n3A_578 = arith.select %and3A_570, %select_n3A_549, %select_n3A_547 : vector<128x1024xi1>, vector<128x1024xi32>
    %select_n3A_579 = arith.select %and3A_570, %select_n3A_550, %select_n3A_548 : vector<128x1024xi1>, vector<128x1024xf32>
    %select_n3A_580 = arith.select %and3A_570, %select_n3A_551, %select_n3A_549 : vector<128x1024xi1>, vector<128x1024xi32>
    %select_n3A_581 = arith.select %and3A_570, %select_n3A_552, %select_n3A_550 : vector<128x1024xi1>, vector<128x1024xf32>
    %select_n3A_582 = arith.select %and3A_570, %select_n3A_553, %select_n3A_551 : vector<128x1024xi1>, vector<128x1024xi32>
    %select_n3A_583 = arith.select %and3A_570, %select_n3A_556, %select_n3A_552 : vector<128x1024xi1>, vector<128x1024xf32>
    %select_n3A_584 = arith.select %and3A_570, %select_n3A_175, %select_n3A_553 : vector<128x1024xi1>, vector<128x1024xi32>
    %reduce_max3A_585 = arith.constant dense<0xFF800000> : vector<1024xf32>
    %reduce_max3A_586 = vector.multi_reduction <maximumf>, %select_n3A_571, %reduce_max3A_585 [0] : vector<128x1024xf32> to vector<1024xf32>
    %broadcast_in_dim3A_587 = vector.shape_cast %reduce_max3A_586 : vector<1024xf32> to vector<1x1024xf32>
    %eq3A_588 = vector.broadcast %broadcast_in_dim3A_587 : vector<1x1024xf32> to vector<128x1024xf32>
    %eq3A_589 = arith.cmpf oeq, %select_n3A_571, %eq3A_588 : vector<128x1024xf32>
    %jit3A_590 = arith.constant 1024 : i32
    %broadcast_in_dim3A_591 = vector.broadcast %jit3A_590 : i32 to vector<128x1024xi32>
    %select_n3A_592 = arith.select %eq3A_589, %select_n3A_572, %broadcast_in_dim3A_591 : vector<128x1024xi1>, vector<128x1024xi32>
    %reduce_min3A_593 = arith.constant dense<2147483647> : vector<1024xi32>
    %reduce_min3A_594 = vector.multi_reduction <minsi>, %select_n3A_592, %reduce_min3A_593 [0] : vector<128x1024xi32> to vector<1024xi32>
    %broadcast_in_dim3A_595 = vector.shape_cast %reduce_min3A_594 : vector<1024xi32> to vector<1x1024xi32>
    %eq3A_596 = vector.broadcast %broadcast_in_dim3A_595 : vector<1x1024xi32> to vector<128x1024xi32>
    %eq3A_597 = arith.cmpi eq, %select_n3A_572, %eq3A_596 : vector<128x1024xi32>
    %and3A_598 = arith.andi %eq3A_589, %eq3A_597 : vector<128x1024xi1>
    %select_n3A_599 = arith.select %and3A_598, %select_n3A_573, %select_n3A_571 : vector<128x1024xi1>, vector<128x1024xf32>
    %select_n3A_600 = arith.select %and3A_598, %select_n3A_574, %select_n3A_572 : vector<128x1024xi1>, vector<128x1024xi32>
    %select_n3A_601 = arith.select %and3A_598, %select_n3A_575, %select_n3A_573 : vector<128x1024xi1>, vector<128x1024xf32>
    %select_n3A_602 = arith.select %and3A_598, %select_n3A_576, %select_n3A_574 : vector<128x1024xi1>, vector<128x1024xi32>
    %select_n3A_603 = arith.select %and3A_598, %select_n3A_577, %select_n3A_575 : vector<128x1024xi1>, vector<128x1024xf32>
    %select_n3A_604 = arith.select %and3A_598, %select_n3A_578, %select_n3A_576 : vector<128x1024xi1>, vector<128x1024xi32>
    %select_n3A_605 = arith.select %and3A_598, %select_n3A_579, %select_n3A_577 : vector<128x1024xi1>, vector<128x1024xf32>
    %select_n3A_606 = arith.select %and3A_598, %select_n3A_580, %select_n3A_578 : vector<128x1024xi1>, vector<128x1024xi32>
    %select_n3A_607 = arith.select %and3A_598, %select_n3A_581, %select_n3A_579 : vector<128x1024xi1>, vector<128x1024xf32>
    %select_n3A_608 = arith.select %and3A_598, %select_n3A_582, %select_n3A_580 : vector<128x1024xi1>, vector<128x1024xi32>
    %select_n3A_609 = arith.select %and3A_598, %select_n3A_583, %select_n3A_581 : vector<128x1024xi1>, vector<128x1024xf32>
    %select_n3A_610 = arith.select %and3A_598, %select_n3A_584, %select_n3A_582 : vector<128x1024xi1>, vector<128x1024xi32>
    %reduce_max3A_611 = arith.constant dense<0xFF800000> : vector<1024xf32>
    %reduce_max3A_612 = vector.multi_reduction <maximumf>, %select_n3A_599, %reduce_max3A_611 [0] : vector<128x1024xf32> to vector<1024xf32>
    %broadcast_in_dim3A_613 = vector.shape_cast %reduce_max3A_612 : vector<1024xf32> to vector<1x1024xf32>
    %eq3A_614 = vector.broadcast %broadcast_in_dim3A_613 : vector<1x1024xf32> to vector<128x1024xf32>
    %eq3A_615 = arith.cmpf oeq, %select_n3A_599, %eq3A_614 : vector<128x1024xf32>
    %jit3A_616 = arith.constant 1024 : i32
    %broadcast_in_dim3A_617 = vector.broadcast %jit3A_616 : i32 to vector<128x1024xi32>
    %select_n3A_618 = arith.select %eq3A_615, %select_n3A_600, %broadcast_in_dim3A_617 : vector<128x1024xi1>, vector<128x1024xi32>
    %reduce_min3A_619 = arith.constant dense<2147483647> : vector<1024xi32>
    %reduce_min3A_620 = vector.multi_reduction <minsi>, %select_n3A_618, %reduce_min3A_619 [0] : vector<128x1024xi32> to vector<1024xi32>
    %broadcast_in_dim3A_621 = vector.shape_cast %reduce_min3A_620 : vector<1024xi32> to vector<1x1024xi32>
    %eq3A_622 = vector.broadcast %broadcast_in_dim3A_621 : vector<1x1024xi32> to vector<128x1024xi32>
    %eq3A_623 = arith.cmpi eq, %select_n3A_600, %eq3A_622 : vector<128x1024xi32>
    %and3A_624 = arith.andi %eq3A_615, %eq3A_623 : vector<128x1024xi1>
    %select_n3A_625 = arith.select %and3A_624, %select_n3A_601, %select_n3A_599 : vector<128x1024xi1>, vector<128x1024xf32>
    %select_n3A_626 = arith.select %and3A_624, %select_n3A_602, %select_n3A_600 : vector<128x1024xi1>, vector<128x1024xi32>
    %select_n3A_627 = arith.select %and3A_624, %select_n3A_603, %select_n3A_601 : vector<128x1024xi1>, vector<128x1024xf32>
    %select_n3A_628 = arith.select %and3A_624, %select_n3A_604, %select_n3A_602 : vector<128x1024xi1>, vector<128x1024xi32>
    %select_n3A_629 = arith.select %and3A_624, %select_n3A_605, %select_n3A_603 : vector<128x1024xi1>, vector<128x1024xf32>
    %select_n3A_630 = arith.select %and3A_624, %select_n3A_606, %select_n3A_604 : vector<128x1024xi1>, vector<128x1024xi32>
    %select_n3A_631 = arith.select %and3A_624, %select_n3A_607, %select_n3A_605 : vector<128x1024xi1>, vector<128x1024xf32>
    %select_n3A_632 = arith.select %and3A_624, %select_n3A_608, %select_n3A_606 : vector<128x1024xi1>, vector<128x1024xi32>
    %select_n3A_633 = arith.select %and3A_624, %select_n3A_609, %select_n3A_607 : vector<128x1024xi1>, vector<128x1024xf32>
    %select_n3A_634 = arith.select %and3A_624, %select_n3A_610, %select_n3A_608 : vector<128x1024xi1>, vector<128x1024xi32>
    %reduce_max3A_635 = arith.constant dense<0xFF800000> : vector<1024xf32>
    %reduce_max3A_636 = vector.multi_reduction <maximumf>, %select_n3A_625, %reduce_max3A_635 [0] : vector<128x1024xf32> to vector<1024xf32>
    %broadcast_in_dim3A_637 = vector.shape_cast %reduce_max3A_636 : vector<1024xf32> to vector<1x1024xf32>
    %eq3A_638 = vector.broadcast %broadcast_in_dim3A_637 : vector<1x1024xf32> to vector<128x1024xf32>
    %eq3A_639 = arith.cmpf oeq, %select_n3A_625, %eq3A_638 : vector<128x1024xf32>
    %jit3A_640 = arith.constant 1024 : i32
    %broadcast_in_dim3A_641 = vector.broadcast %jit3A_640 : i32 to vector<128x1024xi32>
    %select_n3A_642 = arith.select %eq3A_639, %select_n3A_626, %broadcast_in_dim3A_641 : vector<128x1024xi1>, vector<128x1024xi32>
    %reduce_min3A_643 = arith.constant dense<2147483647> : vector<1024xi32>
    %reduce_min3A_644 = vector.multi_reduction <minsi>, %select_n3A_642, %reduce_min3A_643 [0] : vector<128x1024xi32> to vector<1024xi32>
    %broadcast_in_dim3A_645 = vector.shape_cast %reduce_min3A_644 : vector<1024xi32> to vector<1x1024xi32>
    %eq3A_646 = vector.broadcast %broadcast_in_dim3A_645 : vector<1x1024xi32> to vector<128x1024xi32>
    %eq3A_647 = arith.cmpi eq, %select_n3A_626, %eq3A_646 : vector<128x1024xi32>
    %and3A_648 = arith.andi %eq3A_639, %eq3A_647 : vector<128x1024xi1>
    %select_n3A_649 = arith.select %and3A_648, %select_n3A_627, %select_n3A_625 : vector<128x1024xi1>, vector<128x1024xf32>
    %select_n3A_650 = arith.select %and3A_648, %select_n3A_628, %select_n3A_626 : vector<128x1024xi1>, vector<128x1024xi32>
    %select_n3A_651 = arith.select %and3A_648, %select_n3A_629, %select_n3A_627 : vector<128x1024xi1>, vector<128x1024xf32>
    %select_n3A_652 = arith.select %and3A_648, %select_n3A_630, %select_n3A_628 : vector<128x1024xi1>, vector<128x1024xi32>
    %select_n3A_653 = arith.select %and3A_648, %select_n3A_631, %select_n3A_629 : vector<128x1024xi1>, vector<128x1024xf32>
    %select_n3A_654 = arith.select %and3A_648, %select_n3A_632, %select_n3A_630 : vector<128x1024xi1>, vector<128x1024xi32>
    %select_n3A_655 = arith.select %and3A_648, %select_n3A_633, %select_n3A_631 : vector<128x1024xi1>, vector<128x1024xf32>
    %select_n3A_656 = arith.select %and3A_648, %select_n3A_634, %select_n3A_632 : vector<128x1024xi1>, vector<128x1024xi32>
    %reduce_max3A_657 = arith.constant dense<0xFF800000> : vector<1024xf32>
    %reduce_max3A_658 = vector.multi_reduction <maximumf>, %select_n3A_649, %reduce_max3A_657 [0] : vector<128x1024xf32> to vector<1024xf32>
    %broadcast_in_dim3A_659 = vector.shape_cast %reduce_max3A_658 : vector<1024xf32> to vector<1x1024xf32>
    %eq3A_660 = vector.broadcast %broadcast_in_dim3A_659 : vector<1x1024xf32> to vector<128x1024xf32>
    %eq3A_661 = arith.cmpf oeq, %select_n3A_649, %eq3A_660 : vector<128x1024xf32>
    %jit3A_662 = arith.constant 1024 : i32
    %broadcast_in_dim3A_663 = vector.broadcast %jit3A_662 : i32 to vector<128x1024xi32>
    %select_n3A_664 = arith.select %eq3A_661, %select_n3A_650, %broadcast_in_dim3A_663 : vector<128x1024xi1>, vector<128x1024xi32>
    %reduce_min3A_665 = arith.constant dense<2147483647> : vector<1024xi32>
    %reduce_min3A_666 = vector.multi_reduction <minsi>, %select_n3A_664, %reduce_min3A_665 [0] : vector<128x1024xi32> to vector<1024xi32>
    %broadcast_in_dim3A_667 = vector.shape_cast %reduce_min3A_666 : vector<1024xi32> to vector<1x1024xi32>
    %eq3A_668 = vector.broadcast %broadcast_in_dim3A_667 : vector<1x1024xi32> to vector<128x1024xi32>
    %eq3A_669 = arith.cmpi eq, %select_n3A_650, %eq3A_668 : vector<128x1024xi32>
    %and3A_670 = arith.andi %eq3A_661, %eq3A_669 : vector<128x1024xi1>
    %select_n3A_671 = arith.select %and3A_670, %select_n3A_651, %select_n3A_649 : vector<128x1024xi1>, vector<128x1024xf32>
    %select_n3A_672 = arith.select %and3A_670, %select_n3A_652, %select_n3A_650 : vector<128x1024xi1>, vector<128x1024xi32>
    %select_n3A_673 = arith.select %and3A_670, %select_n3A_653, %select_n3A_651 : vector<128x1024xi1>, vector<128x1024xf32>
    %select_n3A_674 = arith.select %and3A_670, %select_n3A_654, %select_n3A_652 : vector<128x1024xi1>, vector<128x1024xi32>
    %select_n3A_675 = arith.select %and3A_670, %select_n3A_655, %select_n3A_653 : vector<128x1024xi1>, vector<128x1024xf32>
    %select_n3A_676 = arith.select %and3A_670, %select_n3A_656, %select_n3A_654 : vector<128x1024xi1>, vector<128x1024xi32>
    %reduce_max3A_677 = arith.constant dense<0xFF800000> : vector<1024xf32>
    %reduce_max3A_678 = vector.multi_reduction <maximumf>, %select_n3A_671, %reduce_max3A_677 [0] : vector<128x1024xf32> to vector<1024xf32>
    %broadcast_in_dim3A_679 = vector.shape_cast %reduce_max3A_678 : vector<1024xf32> to vector<1x1024xf32>
    %eq3A_680 = vector.broadcast %broadcast_in_dim3A_679 : vector<1x1024xf32> to vector<128x1024xf32>
    %eq3A_681 = arith.cmpf oeq, %select_n3A_671, %eq3A_680 : vector<128x1024xf32>
    %jit3A_682 = arith.constant 1024 : i32
    %broadcast_in_dim3A_683 = vector.broadcast %jit3A_682 : i32 to vector<128x1024xi32>
    %select_n3A_684 = arith.select %eq3A_681, %select_n3A_672, %broadcast_in_dim3A_683 : vector<128x1024xi1>, vector<128x1024xi32>
    %reduce_min3A_685 = arith.constant dense<2147483647> : vector<1024xi32>
    %reduce_min3A_686 = vector.multi_reduction <minsi>, %select_n3A_684, %reduce_min3A_685 [0] : vector<128x1024xi32> to vector<1024xi32>
    %broadcast_in_dim3A_687 = vector.shape_cast %reduce_min3A_686 : vector<1024xi32> to vector<1x1024xi32>
    %eq3A_688 = vector.broadcast %broadcast_in_dim3A_687 : vector<1x1024xi32> to vector<128x1024xi32>
    %eq3A_689 = arith.cmpi eq, %select_n3A_672, %eq3A_688 : vector<128x1024xi32>
    %and3A_690 = arith.andi %eq3A_681, %eq3A_689 : vector<128x1024xi1>
    %select_n3A_691 = arith.select %and3A_690, %select_n3A_673, %select_n3A_671 : vector<128x1024xi1>, vector<128x1024xf32>
    %select_n3A_692 = arith.select %and3A_690, %select_n3A_674, %select_n3A_672 : vector<128x1024xi1>, vector<128x1024xi32>
    %select_n3A_693 = arith.select %and3A_690, %select_n3A_675, %select_n3A_673 : vector<128x1024xi1>, vector<128x1024xf32>
    %select_n3A_694 = arith.select %and3A_690, %select_n3A_676, %select_n3A_674 : vector<128x1024xi1>, vector<128x1024xi32>
    %reduce_max3A_695 = arith.constant dense<0xFF800000> : vector<1024xf32>
    %reduce_max3A_696 = vector.multi_reduction <maximumf>, %select_n3A_691, %reduce_max3A_695 [0] : vector<128x1024xf32> to vector<1024xf32>
    %broadcast_in_dim3A_697 = vector.shape_cast %reduce_max3A_696 : vector<1024xf32> to vector<1x1024xf32>
    %eq3A_698 = vector.broadcast %broadcast_in_dim3A_697 : vector<1x1024xf32> to vector<128x1024xf32>
    %eq3A_699 = arith.cmpf oeq, %select_n3A_691, %eq3A_698 : vector<128x1024xf32>
    %jit3A_700 = arith.constant 1024 : i32
    %broadcast_in_dim3A_701 = vector.broadcast %jit3A_700 : i32 to vector<128x1024xi32>
    %select_n3A_702 = arith.select %eq3A_699, %select_n3A_692, %broadcast_in_dim3A_701 : vector<128x1024xi1>, vector<128x1024xi32>
    %reduce_min3A_703 = arith.constant dense<2147483647> : vector<1024xi32>
    %reduce_min3A_704 = vector.multi_reduction <minsi>, %select_n3A_702, %reduce_min3A_703 [0] : vector<128x1024xi32> to vector<1024xi32>
    %broadcast_in_dim3A_705 = vector.shape_cast %reduce_min3A_704 : vector<1024xi32> to vector<1x1024xi32>
    %eq3A_706 = vector.broadcast %broadcast_in_dim3A_705 : vector<1x1024xi32> to vector<128x1024xi32>
    %eq3A_707 = arith.cmpi eq, %select_n3A_692, %eq3A_706 : vector<128x1024xi32>
    %and3A_708 = arith.andi %eq3A_699, %eq3A_707 : vector<128x1024xi1>
    %select_n3A_709 = arith.select %and3A_708, %select_n3A_693, %select_n3A_691 : vector<128x1024xi1>, vector<128x1024xf32>
    %select_n3A_710 = arith.select %and3A_708, %select_n3A_694, %select_n3A_692 : vector<128x1024xi1>, vector<128x1024xi32>
    %reduce_max3A_711 = arith.constant dense<0xFF800000> : vector<1024xf32>
    %reduce_max3A_712 = vector.multi_reduction <maximumf>, %select_n3A_709, %reduce_max3A_711 [0] : vector<128x1024xf32> to vector<1024xf32>
    %broadcast_in_dim3A_713 = vector.shape_cast %reduce_max3A_712 : vector<1024xf32> to vector<1x1024xf32>
    %eq3A_714 = vector.broadcast %broadcast_in_dim3A_713 : vector<1x1024xf32> to vector<128x1024xf32>
    %eq3A_715 = arith.cmpf oeq, %select_n3A_709, %eq3A_714 : vector<128x1024xf32>
    %jit3A_716 = arith.constant 1024 : i32
    %broadcast_in_dim3A_717 = vector.broadcast %jit3A_716 : i32 to vector<128x1024xi32>
    %select_n3A_718 = arith.select %eq3A_715, %select_n3A_710, %broadcast_in_dim3A_717 : vector<128x1024xi1>, vector<128x1024xi32>
    %reduce_min3A_719 = arith.constant dense<2147483647> : vector<1024xi32>
    %reduce_min3A_720 = vector.multi_reduction <minsi>, %select_n3A_718, %reduce_min3A_719 [0] : vector<128x1024xi32> to vector<1024xi32>
    %broadcast_in_dim3A_721 = vector.shape_cast %reduce_min3A_720 : vector<1024xi32> to vector<1x1024xi32>
    %broadcast_in_dim3A_722 = arith.constant 0.000000e+00 : f32
    %broadcast_in_dim3A_723 = vector.broadcast %broadcast_in_dim3A_722 : f32 to vector<108x1024xf32>
    %concatenate3A = tpu.concatenate %broadcast_in_dim3A, %broadcast_in_dim3A_218, %broadcast_in_dim3A_249, %broadcast_in_dim3A_280, %broadcast_in_dim3A_311, %broadcast_in_dim3A_342, %broadcast_in_dim3A_373, %broadcast_in_dim3A_404, %broadcast_in_dim3A_435, %broadcast_in_dim3A_466, %broadcast_in_dim3A_497, %broadcast_in_dim3A_528, %broadcast_in_dim3A_559, %broadcast_in_dim3A_587, %broadcast_in_dim3A_613, %broadcast_in_dim3A_637, %broadcast_in_dim3A_659, %broadcast_in_dim3A_679, %broadcast_in_dim3A_697, %broadcast_in_dim3A_713, %broadcast_in_dim3A_723 in 0 : vector<1x1024xf32>, vector<1x1024xf32>, vector<1x1024xf32>, vector<1x1024xf32>, vector<1x1024xf32>, vector<1x1024xf32>, vector<1x1024xf32>, vector<1x1024xf32>, vector<1x1024xf32>, vector<1x1024xf32>, vector<1x1024xf32>, vector<1x1024xf32>, vector<1x1024xf32>, vector<1x1024xf32>, vector<1x1024xf32>, vector<1x1024xf32>, vector<1x1024xf32>, vector<1x1024xf32>, vector<1x1024xf32>, vector<1x1024xf32>, vector<108x1024xf32> -> vector<128x1024xf32>
    %broadcast_in_dim3A_724 = arith.constant 0 : i32
    %broadcast_in_dim3A_725 = vector.broadcast %broadcast_in_dim3A_724 : i32 to vector<108x1024xi32>
    %concatenate3A_726 = tpu.concatenate %broadcast_in_dim3A_196, %broadcast_in_dim3A_226, %broadcast_in_dim3A_257, %broadcast_in_dim3A_288, %broadcast_in_dim3A_319, %broadcast_in_dim3A_350, %broadcast_in_dim3A_381, %broadcast_in_dim3A_412, %broadcast_in_dim3A_443, %broadcast_in_dim3A_474, %broadcast_in_dim3A_505, %broadcast_in_dim3A_536, %broadcast_in_dim3A_567, %broadcast_in_dim3A_595, %broadcast_in_dim3A_621, %broadcast_in_dim3A_645, %broadcast_in_dim3A_667, %broadcast_in_dim3A_687, %broadcast_in_dim3A_705, %broadcast_in_dim3A_721, %broadcast_in_dim3A_725 in 0 : vector<1x1024xi32>, vector<1x1024xi32>, vector<1x1024xi32>, vector<1x1024xi32>, vector<1x1024xi32>, vector<1x1024xi32>, vector<1x1024xi32>, vector<1x1024xi32>, vector<1x1024xi32>, vector<1x1024xi32>, vector<1x1024xi32>, vector<1x1024xi32>, vector<1x1024xi32>, vector<1x1024xi32>, vector<1x1024xi32>, vector<1x1024xi32>, vector<1x1024xi32>, vector<1x1024xi32>, vector<1x1024xi32>, vector<1x1024xi32>, vector<108x1024xi32> -> vector<128x1024xi32>
    %transpose3A = tpu.transpose %concatenate3A, [1, 0] : vector<128x1024xf32> -> vector<1024x128xf32>
    %transpose3A_727 = tpu.transpose %concatenate3A_726, [1, 0] : vector<128x1024xi32> -> vector<1024x128xi32>
    %lt3A = arith.constant 5 : i32
    %lt3A_728 = arith.cmpi slt, %arg0, %lt3A : i32
    %convert_element_type3A_729 = arith.extui %lt3A_728 : i1 to i32
    %cond3A = arith.constant 0 : i32
    %cond3A_730 = arith.cmpi ne, %convert_element_type3A_729, %cond3A : i32
    scf.if %cond3A_730 {
      %swap3A = arith.constant 0 : index
      %swap3A_735 = arith.constant 0 : index
      %swap3A_736 = arith.constant 0 : index
      %swap3A_737 = vector.load %arg5[%swap3A, %swap3A_735, %swap3A_736] : memref<1x1024x128xf32, #tpu.memory_space<vmem>>, vector<1x1024x128xf32>
      %swap3A_738 = vector.shape_cast %swap3A_737 : vector<1x1024x128xf32> to vector<1024x128xf32>
      %swap3A_739 = vector.shape_cast %transpose3A : vector<1024x128xf32> to vector<1x1024x128xf32>
      tpu.vector_store %arg5[%swap3A, %swap3A_735, %swap3A_736], %swap3A_739 {strides = array<i32>} : memref<1x1024x128xf32, #tpu.memory_space<vmem>>, vector<1x1024x128xf32>,
      %swap3A_740 = arith.constant 0 : index
      %swap3A_741 = arith.constant 0 : index
      %swap3A_742 = arith.constant 0 : index
      %swap3A_743 = vector.load %arg6[%swap3A_740, %swap3A_741, %swap3A_742] : memref<1x1024x128xi32, #tpu.memory_space<vmem>>, vector<1x1024x128xi32>
      %swap3A_744 = vector.shape_cast %swap3A_743 : vector<1x1024x128xi32> to vector<1024x128xi32>
      %swap3A_745 = vector.shape_cast %transpose3A_727 : vector<1024x128xi32> to vector<1x1024x128xi32>
      tpu.vector_store %arg6[%swap3A_740, %swap3A_741, %swap3A_742], %swap3A_745 {strides = array<i32>} : memref<1x1024x128xi32, #tpu.memory_space<vmem>>, vector<1x1024x128xi32>,
    } else {
    }
    %ge3A = arith.constant 4 : i32
    %ge3A_731 = arith.cmpi sge, %arg0, %ge3A : i32
    %convert_element_type3A_732 = arith.extui %ge3A_731 : i1 to i32
    %cond3A_733 = arith.constant 0 : i32
    %cond3A_734 = arith.cmpi ne, %convert_element_type3A_732, %cond3A_733 : i32
    scf.if %cond3A_734 {
      %swap3A = arith.constant 0 : index
      %swap3A_735 = arith.constant 0 : index
      %swap3A_736 = arith.constant 0 : index
      %swap3A_737 = vector.load %arg7[%swap3A, %swap3A_735, %swap3A_736] : memref<1x1024x128xf32, #tpu.memory_space<vmem>>, vector<1x1024x128xf32>
      %swap3A_738 = vector.shape_cast %swap3A_737 : vector<1x1024x128xf32> to vector<1024x128xf32>
      %swap3A_739 = vector.shape_cast %transpose3A : vector<1024x128xf32> to vector<1x1024x128xf32>
      tpu.vector_store %arg7[%swap3A, %swap3A_735, %swap3A_736], %swap3A_739 {strides = array<i32>} : memref<1x1024x128xf32, #tpu.memory_space<vmem>>, vector<1x1024x128xf32>,
      %swap3A_740 = arith.constant 0 : index
      %swap3A_741 = arith.constant 0 : index
      %swap3A_742 = arith.constant 0 : index
      %swap3A_743 = vector.load %arg8[%swap3A_740, %swap3A_741, %swap3A_742] : memref<1x1024x128xi32, #tpu.memory_space<vmem>>, vector<1x1024x128xi32>
      %swap3A_744 = vector.shape_cast %swap3A_743 : vector<1x1024x128xi32> to vector<1024x128xi32>
      %swap3A_745 = vector.shape_cast %transpose3A_727 : vector<1024x128xi32> to vector<1x1024x128xi32>
      tpu.vector_store %arg8[%swap3A_740, %swap3A_741, %swap3A_742], %swap3A_745 {strides = array<i32>} : memref<1x1024x128xi32, #tpu.memory_space<vmem>>, vector<1x1024x128xi32>,
    } else {
    }
    return
  }
  func.func @transform_0(%arg0: i32) -> (i32, i32) {
    %lt3A = arith.constant 5 : i32
    %lt3A_0 = arith.cmpi slt, %arg0, %lt3A : i32
    %sub3A = arith.constant 5 : i32
    %sub3A_1 = arith.subi %arg0, %sub3A : i32
    %select_n3A = arith.select %lt3A_0, %arg0, %sub3A_1 : i32
    %c0_i32 = arith.constant 0 : i32
    %c0_i32_2 = arith.constant 0 : i32
    return %select_n3A, %c0_i32 : i32, i32
  }
  func.func @transform_1(%arg0: i32) -> (i32, i32) {
    %lt3A = arith.constant 5 : i32
    %lt3A_0 = arith.cmpi slt, %arg0, %lt3A : i32
    %jit3A = arith.constant 4 : i32
    %select_n3A = arith.select %lt3A_0, %arg0, %jit3A : i32
    %c0_i32 = arith.constant 0 : i32
    %c0_i32_1 = arith.constant 0 : i32
    return %select_n3A, %c0_i32 : i32, i32
  }
  func.func @transform_2(%arg0: i32) -> (i32, i32) {
    %lt3A = arith.constant 5 : i32
    %lt3A_0 = arith.cmpi slt, %arg0, %lt3A : i32
    %sub3A = arith.constant 5 : i32
    %sub3A_1 = arith.subi %arg0, %sub3A : i32
    %select_n3A = arith.select %lt3A_0, %arg0, %sub3A_1 : i32
    %c0_i32 = arith.constant 0 : i32
    %c0_i32_2 = arith.constant 0 : i32
    return %select_n3A, %c0_i32 : i32, i32
  }
  func.func @transform_3(%arg0: i32) -> (i32, i32) {
    %lt3A = arith.constant 5 : i32
    %lt3A_0 = arith.cmpi slt, %arg0, %lt3A : i32
    %jit3A = arith.constant 4 : i32
    %select_n3A = arith.select %lt3A_0, %arg0, %jit3A : i32
    %c0_i32 = arith.constant 0 : i32
    %c0_i32_1 = arith.constant 0 : i32
    return %select_n3A, %c0_i32 : i32, i32
  }
  func.func @transform_4(%arg0: i32) -> (i32, i32, i32) {
    %min3A = arith.constant 4 : i32
    %min3A_0 = arith.minsi %arg0, %min3A : i32
    %c0_i32 = arith.constant 0 : i32
    %c0_i32_1 = arith.constant 0 : i32
    %c0_i32_2 = arith.constant 0 : i32
    return %min3A_0, %c0_i32, %c0_i32_1 : i32, i32, i32
  }
  func.func @transform_5(%arg0: i32) -> (i32, i32, i32) {
    %min3A = arith.constant 4 : i32
    %min3A_0 = arith.minsi %arg0, %min3A : i32
    %c0_i32 = arith.constant 0 : i32
    %c0_i32_1 = arith.constant 0 : i32
    %c0_i32_2 = arith.constant 0 : i32
    return %min3A_0, %c0_i32, %c0_i32_1 : i32, i32, i32
  }
  func.func @transform_6(%arg0: i32) -> (i32, i32, i32) {
    %le3A = arith.constant 4 : i32
    %le3A_0 = arith.cmpi sle, %arg0, %le3A : i32
    %sub3A = arith.constant 5 : i32
    %sub3A_1 = arith.subi %arg0, %sub3A : i32
    %jit3A = arith.constant 4 : i32
    %select_n3A = arith.select %le3A_0, %jit3A, %sub3A_1 : i32
    %c0_i32 = arith.constant 0 : i32
    %c0_i32_2 = arith.constant 0 : i32
    %c0_i32_3 = arith.constant 0 : i32
    return %select_n3A, %c0_i32, %c0_i32_2 : i32, i32, i32
  }
  func.func @transform_7(%arg0: i32) -> (i32, i32, i32) {
    %le3A = arith.constant 4 : i32
    %le3A_0 = arith.cmpi sle, %arg0, %le3A : i32
    %sub3A = arith.constant 5 : i32
    %sub3A_1 = arith.subi %arg0, %sub3A : i32
    %jit3A = arith.constant 4 : i32
    %select_n3A = arith.select %le3A_0, %jit3A, %sub3A_1 : i32
    %c0_i32 = arith.constant 0 : i32
    %c0_i32_2 = arith.constant 0 : i32
    %c0_i32_3 = arith.constant 0 : i32
    return %select_n3A, %c0_i32, %c0_i32_2 : i32, i32, i32
  }
}

</mosaic_0001>

<sc_bundles>
// kernel: kernel.4.cloned.1.call-start
scs
__scs_entry_jumppad:
0x0: {  	(pc) =	sbr.rel $0x88, $3  }
0x1: {  	(tag) =	ssettag $0x0;
	lr =	simm.s32 $0x1  }
0x2: {  	[smem:$0x3FA0] =	sst lr;
	_ =	strace $0xD0000000  }
0x3: {  	_ = 	snop  }
0x4: {  	_ = 	snop  }
0x5: {  	_ = 	snop  }
0x6: {  	_ = 	snop  }
0x7: {  	_ = 	snop  }
__scs_overlays_trampoline_lowered:
0x8: {  	[smem:$0x3FAF] =	sst s0  }
0x9: {  	[smem:$0x3FB0] =	sst s1  }
0xa: {  	[smem:$0x3FB1] =	sst s2  }
0xb: {  	[smem:$0x3FB2] =	sst s3  }
0xc: {  	[smem:$0x3FB3] =	sst s4  }
0xd: {  	[smem:$0x3FB4] =	sst s5  }
0xe: {  	[smem:$0x3FB5] =	sst s6  }
0xf: {  	[smem:$0x3FB6] =	sst s7  }
0x10: {  	[smem:$0x3FB7] =	sst s8  }
0x11: {  	[smem:$0x3FB8] =	sst s9;
	s0 =	simm.s32 @!p0 $0x0  }
0x12: {  	s1 =	sld [smem:$0x3F9E];
	s0 =	simm.s32 @p0 $0x1  }
0x13: {  	[smem:$0x3FB9] =	sst s0;
	s0 =	simm.s32 @!p1 $0x0  }
0x14: {  	s2 =	sld [smem:$0x3F9D];
	s0 =	simm.s32 @p1 $0x1  }
0x15: {  	[smem:$0x3FBA] =	sst s0;
	s0 =	simm.s32 @!p2 $0x0  }
0x16: {  	s3 =	sld [smem:$0x3FDB];
	s0 =	simm.s32 @p2 $0x1  }
0x17: {  	s4 =	simm.s32 $0x1BF5;
	[smem:$0x3FBC] =	sst s0  }
0x18: {  	s0 =	sld [smem:$0x3F9F];
	_ =	swait.ge [sflag:s4], $0x0  }
0x19: {  	s7 =	sld [smem:$0x3FA0]  }
0x1a: {  	s8 =	sadd.s32 $0xFFFFE003, lr  }
0x1b: {  	s9 =	sadd.s32 $0xFFFFFEF7, lr;
	s5 =	simm.s32 $0xFFFFFFFF;
	p2 =	slt.u32 s8, $0xFFFFF086  }
0x1c: {  	p1 =	slt.u32 s9, $0xF7A;
	s5 =	simm.s32 @!p2 $0x0  }
0x1d: {  	s5 =	simm.s32 @p1 $0x1;
	p0 =	seq.s32 s7, s2  }
0x1e: {  	s7 =	smul.u32 @!p0 $0xF7A, s2;
	p2 =	seq.s32 @!p0 s5, $0x0  }
0x1f: {  	s9 =	smul.u32 $0xF7A, s1;
	s8 =	simm.s32 @!p0 $0x1BF5;
	p2 =	por !p2, p0  }
0x20: {  	[sflag:s8] =	ssyncset.s32 @!p0 $0xFFFFF086;
	s6 =	sadd.s32 @!p0 s3, s7;
	s7 =	simm.s32 @!p0 $0x108  }
0x21: {  	s3 =	sadd.s32 s3, s9;
	s6 =	sadd.s32 @!p0 $0x88, s6;
	s7 =	simm.s32 @p2 $0x1082  }
0x22: {  	[simem:s7], [sflag:s8] =	dma.local @!p0 [hbm:s6], $0xF7A  }
0x23: {  	s9 =	sor.u32 $0xD0000000, s2;
	s6 =	simm.s32 $0x108;
	_ =	swait.ge @!p0 [sflag:s8], $0x0  }
0x24: {  	s3 =	sadd.s32 $0x88, s3;
	s6 =	simm.s32 @!p1 $0x1082;
	[sflag:s4] =	ssyncset.s32 $0xFFFFF086  }
0x25: {  	[simem:s6], [sflag:s4] =	dma.local [hbm:s3], $0xF7A  }
0x26: {  	[smem:$0x3FA0] =	sst s1;
	(tag) =	ssettag s2;
	_ =	strace s9  }
0x27: {  	s1 =	sld [smem:$0x3FB0]  }
0x28: {  	s2 =	sld [smem:$0x3FB1]  }
0x29: {  	s4 =	sld [smem:$0x3FB3]  }
0x2a: {  	p0 =	seq.s32 s5, $0x0;
	s5 =	sld [smem:$0x3FB4]  }
0x2b: {  	s6 =	sld [smem:$0x3FB5]  }
0x2c: {  	s7 =	sld [smem:$0x3FB6]  }
0x2d: {  	s3 =	simm.s32 $0x108;
	s8 =	sld [smem:$0x3FB7]  }
0x2e: {  	s3 =	simm.s32 @!p0 $0x1082;
	s9 =	sld [smem:$0x3FB8]  }
0x2f: {  	lr =	sadd.s32 s0, s3;
	s0 =	sld [smem:$0x3FAF]  }
0x30: {  	s3 =	sld [smem:$0x3FB2]  }
0x31: {  	[smem:$0x3FBB] =	sst s10  }
0x32: {  	s10 =	sld [smem:$0x3FB9];
	_ =	sdelay $0x3  }
0x33: {  	p0 =	seq.s32 s10, $0x1;
	s10 =	sld [smem:$0x3FBB];
	_ =	sdelay $0x3  }
0x34: {  	[smem:$0x3FBB] =	sst s10  }
0x35: {  	s10 =	sld [smem:$0x3FBA];
	_ =	sdelay $0x3  }
0x36: {  	p1 =	seq.s32 s10, $0x1;
	s10 =	sld [smem:$0x3FBB];
	_ =	sdelay $0x3  }
0x37: {  	[smem:$0x3FBB] =	sst s10  }
0x38: {  	s10 =	sld [smem:$0x3FBC]  }
0x39: {  	_ = 	snop;
	(pc) =	sbr.ind lr, $3  }
0x3a: {  	_ = 	snop  }
0x3b: {  	_ = 	snop  }
0x3c: {  	p2 =	seq.s32 s10, $0x1;
	s10 =	sld [smem:$0x3FBB]  }
0x3d: {  	_ =	shalt  }
0x3e: {  	_ =	shalt  }
0x3f: {  	_ =	shalt  }
0x40: {  	_ =	shalt  }
0x41: {  	_ =	shalt  }
0x42: {  	_ =	shalt  }
0x43: {  	_ =	shalt  }
0x44: {  	_ =	shalt  }
0x45: {  	_ =	shalt  }
0x46: {  	_ =	shalt  }
0x47: {  	_ =	shalt  }
0x48: {  	_ =	shalt  }
0x49: {  	_ =	shalt  }
0x4a: {  	_ =	shalt  }
0x4b: {  	_ =	shalt  }
0x4c: {  	_ =	shalt  }
0x4d: {  	_ =	shalt  }
0x4e: {  	_ =	shalt  }
0x4f: {  	_ =	shalt  }
0x50: {  	_ =	shalt  }
0x51: {  	_ =	shalt  }
0x52: {  	_ =	shalt  }
0x53: {  	_ =	shalt  }
0x54: {  	_ =	shalt  }
0x55: {  	_ =	shalt  }
0x56: {  	_ =	shalt  }
0x57: {  	_ =	shalt  }
0x58: {  	_ =	shalt  }
0x59: {  	_ =	shalt  }
0x5a: {  	_ =	shalt  }
0x5b: {  	_ =	shalt  }
0x5c: {  	_ =	shalt  }
0x5d: {  	_ =	shalt  }
0x5e: {  	_ =	shalt  }
0x5f: {  	_ =	shalt  }
0x60: {  	_ =	shalt  }
0x61: {  	_ =	shalt  }
0x62: {  	_ =	shalt  }
0x63: {  	_ =	shalt  }
0x64: {  	_ =	shalt  }
0x65: {  	_ =	shalt  }
0x66: {  	_ =	shalt  }
0x67: {  	_ =	shalt  }
0x68: {  	_ =	shalt  }
0x69: {  	_ =	shalt  }
0x6a: {  	_ =	shalt  }
0x6b: {  	_ =	shalt  }
0x6c: {  	_ =	shalt  }
0x6d: {  	_ =	shalt  }
0x6e: {  	_ =	shalt  }
0x6f: {  	_ =	shalt  }
0x70: {  	_ =	shalt  }
0x71: {  	_ =	shalt  }
0x72: {  	_ =	shalt  }
0x73: {  	_ =	shalt  }
0x74: {  	_ =	shalt  }
0x75: {  	_ =	shalt  }
0x76: {  	_ =	shalt  }
0x77: {  	_ =	shalt  }
0x78: {  	_ =	shalt  }
0x79: {  	_ =	shalt  }
0x7a: {  	_ =	shalt  }
0x7b: {  	_ =	shalt  }
0x7c: {  	_ =	shalt  }
0x7d: {  	_ =	shalt  }
0x7e: {  	_ =	shalt  }
0x7f: {  	_ =	shalt  }
0x80: {  	_ =	shalt  }
0x81: {  	_ =	shalt  }
0x82: {  	_ =	shalt  }
0x83: {  	_ =	shalt  }
0x84: {  	_ =	shalt  }
0x85: {  	_ =	shalt  }
0x86: {  	_ =	shalt  }
0x87: {  	_ =	shalt  }
.Lfunc_end0:
.L_simem_size_0:
called_computation_lowered:
.L_overlay_start_0:
0x88: {  	s2 =	sld [smem:$0x3FD9]  }
0x89: {  	s3 =	sld [smem:$0x3FFE];
	_ =	sdelay $0x1  }
0x8a: {  	s1 =	srdreg.scid  }
0x8b: {  	s0 =	sand.u32 $0x1, s1  }
0x8c: {  	s14 =	sshll.u32 s0, $0xA;
	s2 =	sadd.s32 s3, s2  }
0x8d: {  	s2 =	sadd.s32 s2, s14  }
0x8e: {  	[smem:$0x3FC7] =	sst s2  }
0x8f: {  	_ = 	snop  }
0x90: {  	s2 =	sld [smem:$0x3FD0];
	_ =	sdelay $0x2  }
0x91: {  	s15 =	simm.s32 $0xA;
	s4 =	simm.s32 $0x10  }
0x92: {  	[smem:s4], [sflag:s15] =	dma.local [hbm:s2], $0x1  }
0x93: {  	_ =	swait.eq [sflag:s15], $0x1  }
0x94: {  	[sflag:s15] =	ssyncset.done $0x0  }
0x95: {  	[sflag:s15] =	ssyncadd.s32 $0xFFFFFFFF  }
0x96: {  	s16 =	sld [smem:$0x10];
	(tm) =	ssettm $0x1  }
0x97: {  	s17 =	sld [smem:$0x3FFB];
	_ =	sdelay $0x3  }
0x98: {  	_ =	strace s17  }
0x99: {  	s3 =	sld [smem:$0x3FFC];
	_ =	sdelay $0x3  }
0x9a: {  	_ =	strace s3  }
0x9b: {  	s3 =	sld [smem:$0x3FFD];
	_ =	sdelay $0x3  }
0x9c: {  	_ =	strace s3  }
0x9d: {  	_ =	strace $0x8FFFFFFF  }
0x9e: {  	s18 =	sld [smem:$0x3FDB];
	_ =	sdelay $0x1  }
0x9f: {  	s19 =	simm.s32 $_scs_section_size  }
0xa0: {  	s5 =	simm.s32 $_size__tile_overlayer_lowered;
	s6 =	simm.s32 $_tile_overlayer_lowered  }
0xa1: {  	s22 =	simm.s32 $0x1BFF;
	s21 =	sshll.u32 s6, $0x1;
	s3 =	sadd.s32 s19, s18  }
0xa2: {  	s7 =	simm.s32 $0x0;
	s20 =	sshll.u32 s5, $0x1;
	s5 =	sadd.s32 s21, s3  }
0xa3: {  	[timem:s7], [sflag:s22] =	dma.local [hbm:s5], s20  }
0xa4: {  	_ =	swait.ge [sflag:s22], s20  }
0xa5: {  	s4 =	ssub.s32 $0x0, s20;
	[sflag:s22] =	ssyncset.done $0x0  }
0xa6: {  	[sflag:s22] =	ssyncadd.s32 s4;
	_ =	sdelay $0x1  }
0xa7: {  	s23 =	simm.s32 $0x1B8B  }
0xa8: {  	_ =	swait.ge [sflag:s23], $0x1  }
0xa9: {  	[sflag:s23] =	ssyncset.done $0x0  }
0xaa: {  	s25 =	simm.s32 $0x1B8E;
	s24 =	sld [smem:$0x3FFE];
	[sflag:s23] =	ssyncadd.s32 $0xFFFFFFFF  }
0xab: {  	s26 =	simm.s32 $execute0_lowered;
	[smem:$0x3FD2] =	sst s25  }
0xac: {  	s5 =	sshll.u32 s26, $0x1;
	_ =	strace $0x80000046;
	[dreg:$0x1] =	wrdreg $0xFFFFFFFF  }
0xad: {  	s28 =	simm.s32 $_size_execute0_lowered;
	s3 =	sadd.s32 s3, s5;
	[dreg:$0x0] =	wrdreg $0x0  }
0xae: {  	s5 =	sshll.u32 s28, $0x1;
	[dreg:$0x2] =	wrdreg s3  }
0xaf: {  	[dreg:$0x3] =	wrdreg s5  }
0xb0: {  	[dreg:$0x4] =	wrdreg $0xC0  }
0xb1: {  	_ =	task [dreg:s7], $0x5FFFF  }
0xb2: {  	[dreg:$0x1] =	wrdreg $0xFFFFFFFF  }
0xb3: {  	[dreg:$0x0] =	wrdreg $0x60  }
0xb4: {  	[dreg:$0x2] =	wrdreg s24  }
0xb5: {  	[dreg:$0x3] =	wrdreg s16  }
0xb6: {  	[dreg:$0x4] =	wrdreg $0x9  }
0xb7: {  	_ =	task.clear_ibuf [dreg:s7], $0x5FFFF;
	_ =	strace $0x90000046  }
0xb8: {  	s29 =	simm.s32 $0x9;
	_ =	strace $0x80000048  }
0xb9: {  	_ =	swait.ge [sflag:s29], $0x1  }
0xba: {  	[sflag:s29] =	ssyncadd.s32 $0xFFFFFFFF  }
0xbb: {  	_ =	strace $0x90000048  }
0xbc: {  	_ =	sfence  }
0xbd: {  	s30 =	sld [smem:$0x0];
	_ =	sdelay $0x2  }
0xbe: {  	s31 =	sshll.u32 s1, $0xD;
	s1 =	sshrl.u32 s1, $0x2  }
0xbf: {  	s3 =	sand.u32 $0x4000, s31;
	s1 =	sadd.s32 s1, s30  }
0xc0: {  	s0 =	sor.u32 s3, s0;
	s1 =	sshll.u32 s1, $0x11  }
0xc1: {  	s0 =	sor.u32 s1, s0  }
0xc2: {  	s0 =	sadd.s32 $0x8F2B, s0  }
0xc3: {  	[sflag:s0] =	ssyncadd.remote.s32 $0x1  }
0xc4: {  	_ =	sfence.sel $0xFFFF  }
0xc5: {  	[dreg:$0x0] =	wrdreg $0xFFFFFFFF;
	(pc) =	sbr.abs _section_cstart, $3  }
0xc6: {  	[dreg:$0x1] =	wrdreg $0xFFFFFFFF  }
0xc7: {  	_ =	task.clear_ibuf [dreg:s7], $0x2FFFF;
	_ =	strace $0x9FFFFFFF  }
0xc8: {  	(tm) =	ssettm $0x7FFFFFFF  }
0xc9: {  	_ =	shalt  }
tec
execute0_lowered:
.L_overlay_start_1:
0x0: {  	(tag) =	ssettag $0x1  }
0x1: {  	s4 =	rddreg [dreg:$0x0];
	s1 =	srdreg.scid  }
0x2: {  	s0 =	stileid.u32;
	s2 =	rddreg [dreg:$0x1];
	s3 =	simm.s32 $0x0  }
0x3: {  	s12 =	simm.s32 $0xA000;
	s13 =	simm.s32 $0xF000;
	s14 =	simm.s32 $0x14000  }
0x4: {  	s16 =	simm.s32 $0x15400;
	s15 =	simm.s32 $0x80;
	s17 =	simm.s32 $0x16800  }
0x5: {  	s31 =	simm.s32 $0x17C00;
	s18 =	simm.s32 $0x2;
	s19 =	simm.s32 $0x3  }
0x6: {  	s20 =	simm.s32 $0x4;
	s21 =	simm.s32 $0x0;
	s5 =	sand.u32 $0x1, s1  }
0x7: {  	s6 =	sshll.u32 s0, $0x1;
	[smem:$0x7FF] =	sst s3;
	s9 =	smul.u32 $0x140, s0  }
0x8: {  	s6 =	sor.u32 s5, s6;
	s7 =	ssub.s32 $0x2, s5;
	_ =	strace $0x80000047  }
0x9: {  	s11 =	smul.u32 $0xA0, s5;
	[dreg:$0x3] =	wrdreg s16;
	s16 =	simm.s32 $0x400  }
0xa: {  	[dreg:$0x4] =	wrdreg s17;
	s6 =	smul.u32 $0xA00, s6;
	s8 =	sshrl.u32 s7, $0x1  }
0xb: {  	[dreg:$0x5] =	wrdreg s31;
	s17 =	simm.s32 $0x1;
	s8 =	ssub.s32 s7, s8  }
0xc: {  	s9 =	sadd.s32 s11, s9;
	s11 =	simm.s32 $0x5000;
	s10 =	sadd.s32 s6, s4  }
0xd: {  	s8 =	smax.u32 s8, $0x1;
	s4 =	sadd.s32 $0x14C00, s10;
	s5 =	sadd.s32 $0xC00, s10  }
0xe: {  	v0 =	vimm.f32 $0.0e+00;
	s6 =	sadd.s32 $0x28C00, s10;
	s7 =	sadd.s32 $0x3CC00, s10;
	s10 =	simm.s32 $0x5  }
.LBB2_1:
0xf: {  	[tilespmem:s3], [sflag:$0x5] =	stream.linear.gather [hbm4b:s4+s3], $0x5000, $0x38;
	[tilespmem:$0x19000] =	vst v63  }
0x10: {  	_ =	swait.ge [sflag:s10], $0x5000  }
0x11: {  	[sflag:s10] =	ssyncset.done $0x0  }
0x12: {  	[sflag:s10] =	ssyncadd.s32 $0xFFFFB000  }
0x13: {  	[tilespmem:s11], [sflag:$0x5] =	stream.linear.gather [hbm4b:s5+s3], $0x5000, $0x38;
	[tilespmem:$0x19000] =	vst v63  }
0x14: {  	_ =	swait.ge [sflag:s10], $0x5000  }
0x15: {  	[sflag:s10] =	ssyncset.done $0x0  }
0x16: {  	[sflag:s10] =	ssyncadd.s32 $0xFFFFB000  }
0x17: {  	[tilespmem:s12], [sflag:$0x5] =	stream.linear.gather [hbm4b:s6+s3], $0x5000, $0x38;
	[tilespmem:$0x19000] =	vst v63  }
0x18: {  	_ =	swait.ge [sflag:s10], $0x5000  }
0x19: {  	[sflag:s10] =	ssyncset.done $0x0  }
0x1a: {  	[sflag:s10] =	ssyncadd.s32 $0xFFFFB000  }
0x1b: {  	[tilespmem:s13], [sflag:$0x5] =	stream.linear.gather [hbm4b:s7+s3], $0x5000, $0x38;
	[tilespmem:$0x19000] =	vst v63  }
0x1c: {  	_ =	swait.ge [sflag:s10], $0x5000  }
0x1d: {  	[sflag:s10] =	ssyncset.done $0x0  }
0x1e: {  	s22 =	simm.s32 $0x0;
	[sflag:s10] =	ssyncadd.s32 $0xFFFFB000  }
.LBB2_2:
0x1f: {  	p0 =	sne.s32 s22, $0x13FC0  }
.Ltmp0:
0x20: {  	_ = 	snop;
	(pc) =	sbr.rel @p0 .LBB2_2-.Ltmp0, $3  }
0x21: {  	_ =	sdelay $0x1  }
0x22: {  	s23 =	sshra.s32 s22, $0x2  }
0x23: {  	s22 =	sadd.s32 $0x40, s22;
	[tilespmem:s23+$0x14000] =	vst v0  }
0x24: {  	s22 =	simm.s32 $0x0;
	s23 =	simm.s32 $0x5000;
	s24 =	simm.s32 $0xF000  }
0x25: {  	s25 =	simm.s32 $0xA100;
	s26 =	simm.s32 $0x100;
	s28 =	simm.s32 $0x0  }
.LBB2_4:
0x26: {  	p0 =	seq.s32 s28, $0x0  }
0x27: {  	s29 =	simm.s32 @!p0 $0x1  }
0x28: {  	_ =	swait.ge @!p0 [sflag:s29], $0x1400  }
0x29: {  	[sflag:s29] =	ssyncset.done @!p0 $0x0  }
0x2a: {  	[sflag:s29] =	ssyncadd.s32 @!p0 $0xFFFFEC00  }
0x2b: {  	v1 =	vld @!p0 [tilespmem:s23+$0xFFFFFE00]  }
0x2c: {  	v2 =	vld @!p0 [tilespmem:s24+$0xFFFFFE00]  }
0x2d: {  	s30 =	sadd.s32 @!p0 s28, s9  }
0x2e: {  	s29 =	sadd.s32 @!p0 $0xFFFFFFFC, s30  }
0x2f: {  	s31 =	sand.u32 @!p0 $0xFFFFFC00, s29  }
0x30: {  	v3 =	vadd.s32 @!p0 s31, v1  }
0x31: {  	v2 =	vadd.s32 @!p0 $0x1000, v2;
	_ =	sdelay $0x2  }
0x32: {  	s29 =	simm.s32 @!p0 $0x14000;
	v1 =	vimm.f32 @!p0 $0.0e+00  }
0x33: {  	[tilespmem:v3+s29+$0x0] =	vst.idx.msk @!p0 $0xffff, v1  }
0x34: {  	[tilespmem:v2+s29+$0x0] =	vst.idx.msk @!p0 $0xffff, v1  }
0x35: {  	v2 =	vld @!p0 [tilespmem:s23+$0xFFFFFE10]  }
0x36: {  	v3 =	vld @!p0 [tilespmem:s24+$0xFFFFFE10];
	_ =	sdelay $0x3  }
0x37: {  	v2 =	vadd.s32 @!p0 s31, v2  }
0x38: {  	v3 =	vadd.s32 @!p0 $0x1000, v3;
	_ =	sdelay $0x3  }
0x39: {  	[tilespmem:v2+s29+$0x0] =	vst.idx.msk @!p0 $0xf, v1  }
0x3a: {  	[tilespmem:v3+s29+$0x0] =	vst.idx.msk @!p0 $0xf, v1  }
0x3b: {  	v2 =	vld [tilespmem:s23+$0x0];
	_ =	sdelay $0x2  }
0x3c: {  	s31 =	sadd.s32 s28, s9  }
0x3d: {  	s1 =	sand.u32 $0x3C00, s31  }
0x3e: {  	v3 =	vld [tilespmem:s26+$0xFFFFFF00];
	v2 =	vadd.s32 s1, v2  }
0x3f: {  	v4 =	vld [tilespmem:s24+$0x0];
	_ =	sdelay $0x3  }
0x40: {  	[tilespmem:v2+s14+$0x0] =	vst.idx.msk $0xffff, v3  }
0x41: {  	v3 =	vadd.s32 $0x1000, v4;
	v2 =	vld [tilespmem:s25+$0xFFFFFF00];
	_ =	sdelay $0x4  }
0x42: {  	[tilespmem:v3+s14+$0x0] =	vst.idx.msk $0xffff, v2  }
0x43: {  	v2 =	vld [tilespmem:s23+$0x10];
	_ =	sdelay $0x4  }
0x44: {  	v3 =	vld [tilespmem:s26+$0xFFFFFF10];
	v2 =	vadd.s32 s1, v2  }
0x45: {  	v59 =	vld [tilespmem:s24+$0x10];
	_ =	sdelay $0x3  }
0x46: {  	[tilespmem:v2+s14+$0x0] =	vst.idx.msk $0xf, v3  }
0x47: {  	s0 =	sshrl.u32 s31, $0x3;
	v3 =	vadd.s32 $0x1000, v59;
	v2 =	vld [tilespmem:s25+$0xFFFFFF10]  }
0x48: {  	s1 =	smul.u32 $0xA000, s0  }
0x49: {  	s0 =	sand.u32 $0x200, s22  }
0x4a: {  	s0 =	sor.u32 s0, s1  }
0x4b: {  	s0 =	sshrl.u32 s0, $0x3  }
0x4c: {  	s0 =	sadd.s32 s2, s0;
	[tilespmem:v3+s14+$0x0] =	vst.idx.msk $0xf, v2  }
0x4d: {  	[hbm4b:s0+s15] =	stream.strided.scatter [tilespmem:s14], [sflag:$0x1], $0x1400, s16, s15, $0x38;
	[tilespmem:$0x19000] =	vst v63  }
0x4e: {  	s0 =	simm.s32 @!p0 $0x2  }
0x4f: {  	_ =	swait.ge @!p0 [sflag:s0], $0x1400  }
0x50: {  	[sflag:s0] =	ssyncset.done @!p0 $0x0  }
0x51: {  	[sflag:s0] =	ssyncadd.s32 @!p0 $0xFFFFEC00  }
0x52: {  	v2 =	vld @!p0 [tilespmem:s23+$0xFFFFFE80]  }
0x53: {  	v3 =	vld @!p0 [tilespmem:s24+$0xFFFFFE80]  }
0x54: {  	s0 =	sadd.s32 @!p0 $0xFFFFFFFD, s30  }
0x55: {  	s0 =	sand.u32 @!p0 $0xFFFFFC00, s0  }
0x56: {  	s0 =	sadd.s32 @!p0 $0x1400, s0  }
0x57: {  	v2 =	vadd.s32 @!p0 s0, v2  }
0x58: {  	v3 =	vadd.s32 @!p0 $0x2400, v3;
	_ =	sdelay $0x3  }
0x59: {  	[tilespmem:v2+s29+$0x0] =	vst.idx.msk @!p0 $0xffff, v1  }
0x5a: {  	[tilespmem:v3+s29+$0x0] =	vst.idx.msk @!p0 $0xffff, v1  }
0x5b: {  	v2 =	vld @!p0 [tilespmem:s23+$0xFFFFFE90]  }
0x5c: {  	v3 =	vld @!p0 [tilespmem:s24+$0xFFFFFE90];
	_ =	sdelay $0x3  }
0x5d: {  	v2 =	vadd.s32 @!p0 s0, v2  }
0x5e: {  	v3 =	vadd.s32 @!p0 $0x2400, v3;
	_ =	sdelay $0x3  }
0x5f: {  	[tilespmem:v2+s29+$0x0] =	vst.idx.msk @!p0 $0xf, v1  }
0x60: {  	[tilespmem:v3+s29+$0x0] =	vst.idx.msk @!p0 $0xf, v1  }
0x61: {  	v2 =	vld [tilespmem:s23+$0x80];
	_ =	sdelay $0x1  }
0x62: {  	s0 =	sadd.s32 $0x1, s31  }
0x63: {  	s1 =	sand.u32 $0x3C00, s0  }
0x64: {  	s1 =	sadd.s32 $0x1400, s1  }
0x65: {  	v3 =	vld [tilespmem:s26+$0xFFFFFF80];
	v2 =	vadd.s32 s1, v2  }
0x66: {  	v60 =	vld [tilespmem:s24+$0x80];
	_ =	sdelay $0x3  }
0x67: {  	[tilespmem:v2+s14+$0x0] =	vst.idx.msk $0xffff, v3  }
0x68: {  	v3 =	vadd.s32 $0x2400, v60;
	v2 =	vld [tilespmem:s25+$0xFFFFFF80];
	_ =	sdelay $0x4  }
0x69: {  	[tilespmem:v3+s14+$0x0] =	vst.idx.msk $0xffff, v2  }
0x6a: {  	v2 =	vld [tilespmem:s23+$0x90];
	_ =	sdelay $0x4  }
0x6b: {  	v3 =	vld [tilespmem:s26+$0xFFFFFF90];
	v2 =	vadd.s32 s1, v2  }
0x6c: {  	v61 =	vld [tilespmem:s24+$0x90];
	_ =	sdelay $0x3  }
0x6d: {  	[tilespmem:v2+s14+$0x0] =	vst.idx.msk $0xf, v3  }
0x6e: {  	s0 =	sshrl.u32 s0, $0x3;
	v3 =	vadd.s32 $0x2400, v61;
	v2 =	vld [tilespmem:s25+$0xFFFFFF90]  }
0x6f: {  	s0 =	smul.u32 $0xA000, s0;
	s1 =	sadd.s32 $0x80, s22  }
0x70: {  	s1 =	sand.u32 $0x280, s1  }
0x71: {  	s0 =	sor.u32 s1, s0  }
0x72: {  	s0 =	sshrl.u32 s0, $0x3  }
0x73: {  	s1 =	rddreg [dreg:$0x3];
	s0 =	sadd.s32 s2, s0;
	[tilespmem:v3+s14+$0x0] =	vst.idx.msk $0xf, v2  }
0x74: {  	[hbm4b:s0+s15] =	stream.strided.scatter [tilespmem:s1], [sflag:$0x2], $0x1400, s16, s15, $0x38;
	[tilespmem:$0x19000] =	vst v63  }
0x75: {  	s0 =	simm.s32 @!p0 $0x3  }
0x76: {  	_ =	swait.ge @!p0 [sflag:s0], $0x1400  }
0x77: {  	[sflag:s0] =	ssyncset.done @!p0 $0x0  }
0x78: {  	[sflag:s0] =	ssyncadd.s32 @!p0 $0xFFFFEC00  }
0x79: {  	v2 =	vld @!p0 [tilespmem:s23+$0xFFFFFF00]  }
0x7a: {  	v3 =	vld @!p0 [tilespmem:s24+$0xFFFFFF00]  }
0x7b: {  	s0 =	sadd.s32 @!p0 $0xFFFFFFFE, s30  }
0x7c: {  	s0 =	sand.u32 @!p0 $0xFFFFFC00, s0  }
0x7d: {  	s0 =	sadd.s32 @!p0 $0x2800, s0  }
0x7e: {  	v2 =	vadd.s32 @!p0 s0, v2  }
0x7f: {  	v3 =	vadd.s32 @!p0 $0x3800, v3;
	_ =	sdelay $0x3  }
0x80: {  	[tilespmem:v2+s29+$0x0] =	vst.idx.msk @!p0 $0xffff, v1  }
0x81: {  	[tilespmem:v3+s29+$0x0] =	vst.idx.msk @!p0 $0xffff, v1  }
0x82: {  	v2 =	vld @!p0 [tilespmem:s23+$0xFFFFFF10]  }
0x83: {  	v3 =	vld @!p0 [tilespmem:s24+$0xFFFFFF10];
	_ =	sdelay $0x3  }
0x84: {  	v2 =	vadd.s32 @!p0 s0, v2  }
0x85: {  	v3 =	vadd.s32 @!p0 $0x3800, v3;
	_ =	sdelay $0x3  }
0x86: {  	[tilespmem:v2+s29+$0x0] =	vst.idx.msk @!p0 $0xf, v1  }
0x87: {  	[tilespmem:v3+s29+$0x0] =	vst.idx.msk @!p0 $0xf, v1  }
0x88: {  	v2 =	vld [tilespmem:s23+$0x100];
	_ =	sdelay $0x1  }
0x89: {  	s0 =	sadd.s32 $0x2, s31  }
0x8a: {  	s1 =	sand.u32 $0x3C00, s0  }
0x8b: {  	s1 =	sadd.s32 $0x2800, s1  }
0x8c: {  	v3 =	vld [tilespmem:s26+$0x0];
	v2 =	vadd.s32 s1, v2  }
0x8d: {  	v62 =	vld [tilespmem:s24+$0x100];
	_ =	sdelay $0x3  }
0x8e: {  	[tilespmem:v2+s14+$0x0] =	vst.idx.msk $0xffff, v3  }
0x8f: {  	v3 =	vadd.s32 $0x3800, v62;
	v2 =	vld [tilespmem:s25+$0x0];
	_ =	sdelay $0x4  }
0x90: {  	[tilespmem:v3+s14+$0x0] =	vst.idx.msk $0xffff, v2  }
0x91: {  	v2 =	vld [tilespmem:s23+$0x110];
	_ =	sdelay $0x4  }
0x92: {  	v3 =	vld [tilespmem:s26+$0x10];
	v2 =	vadd.s32 s1, v2  }
0x93: {  	v63 =	vld [tilespmem:s24+$0x110];
	_ =	sdelay $0x3  }
0x94: {  	[tilespmem:v2+s14+$0x0] =	vst.idx.msk $0xf, v3  }
0x95: {  	s0 =	sshrl.u32 s0, $0x3;
	v3 =	vadd.s32 $0x3800, v63;
	v2 =	vld [tilespmem:s25+$0x10]  }
0x96: {  	s0 =	smul.u32 $0xA000, s0;
	s1 =	sadd.s32 $0x100, s22  }
0x97: {  	s1 =	sand.u32 $0x300, s1  }
0x98: {  	s0 =	sor.u32 s1, s0  }
0x99: {  	s0 =	sshrl.u32 s0, $0x3  }
0x9a: {  	s1 =	rddreg [dreg:$0x4];
	s0 =	sadd.s32 s2, s0;
	[tilespmem:v3+s14+$0x0] =	vst.idx.msk $0xf, v2  }
0x9b: {  	[hbm4b:s0+s15] =	stream.strided.scatter [tilespmem:s1], [sflag:$0x3], $0x1400, s16, s15, $0x38;
	[tilespmem:$0x19000] =	vst v63  }
0x9c: {  	s0 =	simm.s32 @!p0 $0x4  }
0x9d: {  	_ =	swait.ge @!p0 [sflag:s0], $0x1400  }
0x9e: {  	[sflag:s0] =	ssyncset.done @!p0 $0x0  }
0x9f: {  	[sflag:s0] =	ssyncadd.s32 @!p0 $0xFFFFEC00  }
0xa0: {  	v2 =	vld @!p0 [tilespmem:s23+$0xFFFFFF80]  }
0xa1: {  	v3 =	vld @!p0 [tilespmem:s24+$0xFFFFFF80]  }
0xa2: {  	s0 =	sadd.s32 @!p0 $0xFFFFFFFF, s30  }
0xa3: {  	s0 =	sand.u32 @!p0 $0xFFFFFC00, s0  }
0xa4: {  	s0 =	sadd.s32 @!p0 $0x3C00, s0  }
0xa5: {  	v2 =	vadd.s32 @!p0 s0, v2  }
0xa6: {  	v3 =	vadd.s32 @!p0 $0x4C00, v3;
	_ =	sdelay $0x3  }
0xa7: {  	[tilespmem:v2+s29+$0x0] =	vst.idx.msk @!p0 $0xffff, v1  }
0xa8: {  	[tilespmem:v3+s29+$0x0] =	vst.idx.msk @!p0 $0xffff, v1  }
0xa9: {  	v2 =	vld @!p0 [tilespmem:s23+$0xFFFFFF90]  }
0xaa: {  	v3 =	vld @!p0 [tilespmem:s24+$0xFFFFFF90];
	_ =	sdelay $0x3  }
0xab: {  	v2 =	vadd.s32 @!p0 s0, v2  }
0xac: {  	v3 =	vadd.s32 @!p0 $0x4C00, v3;
	_ =	sdelay $0x3  }
0xad: {  	[tilespmem:v2+s29+$0x0] =	vst.idx.msk @!p0 $0xf, v1  }
0xae: {  	[tilespmem:v3+s29+$0x0] =	vst.idx.msk @!p0 $0xf, v1  }
0xaf: {  	v1 =	vld [tilespmem:s23+$0x180];
	_ =	sdelay $0x1  }
0xb0: {  	s31 =	sadd.s32 $0x3, s31  }
0xb1: {  	s29 =	sand.u32 $0x3C00, s31  }
0xb2: {  	s1 =	sadd.s32 $0x3C00, s29  }
0xb3: {  	v2 =	vld [tilespmem:s26+$0x80];
	v1 =	vadd.s32 s1, v1  }
0xb4: {  	v3 =	vld [tilespmem:s24+$0x180];
	_ =	sdelay $0x3  }
0xb5: {  	[tilespmem:v1+s14+$0x0] =	vst.idx.msk $0xffff, v2  }
0xb6: {  	v2 =	vadd.s32 $0x4C00, v3;
	v1 =	vld [tilespmem:s25+$0x80];
	_ =	sdelay $0x4  }
0xb7: {  	[tilespmem:v2+s14+$0x0] =	vst.idx.msk $0xffff, v1  }
0xb8: {  	v1 =	vld [tilespmem:s23+$0x190];
	_ =	sdelay $0x4  }
0xb9: {  	v2 =	vld [tilespmem:s26+$0x90];
	v1 =	vadd.s32 s1, v1  }
0xba: {  	v3 =	vld [tilespmem:s24+$0x190];
	_ =	sdelay $0x3  }
0xbb: {  	[tilespmem:v1+s14+$0x0] =	vst.idx.msk $0xf, v2  }
0xbc: {  	s28 =	sadd.s32 $0x4, s28;
	s0 =	sshrl.u32 s31, $0x3;
	v2 =	vadd.s32 $0x4C00, v3;
	v1 =	vld [tilespmem:s25+$0x90]  }
0xbd: {  	s30 =	sadd.s32 $0x180, s22;
	s0 =	smul.u32 $0xA000, s0;
	p0 =	sne.s32 s28, $0xA0  }
.Ltmp1:
0xbe: {  	s1 =	sand.u32 $0x380, s30;
	(pc) =	sbr.rel @p0 .LBB2_4-.Ltmp1, $4  }
0xbf: {  	s22 =	sadd.s32 $0x200, s22;
	s31 =	rddreg [dreg:$0x5];
	s0 =	sor.u32 s1, s0  }
0xc0: {  	s23 =	sadd.s32 $0x200, s23;
	s24 =	sadd.s32 $0x200, s24;
	s0 =	sshrl.u32 s0, $0x3  }
0xc1: {  	s26 =	sadd.s32 $0x200, s26;
	s0 =	sadd.s32 s2, s0;
	s25 =	sadd.s32 $0x200, s25;
	[tilespmem:v2+s14+$0x0] =	vst.idx.msk $0xf, v1  }
0xc2: {  	[hbm4b:s0+s15] =	stream.strided.scatter [tilespmem:s31], [sflag:$0x4], $0x1400, s16, s15, $0x38;
	[tilespmem:$0x19000] =	vst v63  }
0xc3: {  	_ =	swait.ge [sflag:s17], $0x1400  }
0xc4: {  	[sflag:s17] =	ssyncset.done $0x0  }
0xc5: {  	[sflag:s17] =	ssyncadd.s32 $0xFFFFEC00  }
0xc6: {  	_ =	swait.ge [sflag:s18], $0x1400  }
0xc7: {  	[sflag:s18] =	ssyncset.done $0x0  }
0xc8: {  	s21 =	sadd.s32 $0x1, s21;
	[sflag:s18] =	ssyncadd.s32 $0xFFFFEC00  }
0xc9: {  	p0 =	sne.s32 s21, s8;
	_ =	swait.ge [sflag:s19], $0x1400  }
.Ltmp2:
0xca: {  	[sflag:s19] =	ssyncset.done $0x0;
	(pc) =	sbr.rel @p0 .LBB2_1-.Ltmp2, $4  }
0xcb: {  	[sflag:s19] =	ssyncadd.s32 $0xFFFFEC00  }
0xcc: {  	_ =	swait.ge [sflag:s20], $0x1400  }
0xcd: {  	[sflag:s20] =	ssyncset.done $0x0  }
0xce: {  	[sflag:s20] =	ssyncadd.s32 $0xFFFFEC00  }
0xcf: {  	_ =	sfence.sel $0x180000  }
0xd0: {  	[bflag:$0x0] =	sbarrier.arrive $0xFFFF  }
0xd1: {  	_ =	strace $0x90000047  }
0xd2: {  	s0 =	stileid.u32;
	[bflag:$0x2] =	sbarrier.arrive $0xFFFF  }
0xd3: {  	p0 =	sne.s32 s0, $0x0;
	s0 =	rddreg [dreg:$0x2]  }
0xd4: {  	s0 =	sadd.s32 @!p0 $0x100000, s0  }
0xd5: {  	[sflag:s0] =	ssyncadd.tile.s32 @!p0 $0x1;
	_ =	shalt  }
.Lfunc_end2:
_tile_overlayer_lowered:
.L_overlay_start_2:
0xd6: {  	(tag) =	ssettag $0x2  }
0xd7: {  	s0 =	rddreg [dreg:$0x0];
	s2 =	stileid.u32  }
0xd8: {  	s1 =	rddreg [dreg:$0x1];
	p0 =	sne.s32 s2, $0x0  }
0xd9: {  	s3 =	rddreg [dreg:$0x2];
	[bflag:$0x3] =	sbarrier.arrive $0xFFFF;
	s2 =	simm.s32 @!p0 $0x1C05  }
0xda: {  	[timem:s3], [sflag:s2] =	dma.local @!p0 [hbm:s0], s1  }
0xdb: {  	s0 =	simm.s32 @!p0 $0x5  }
0xdc: {  	_ =	swait.ge @!p0 [sflag:s0], s1  }
0xdd: {  	s1 =	ssub.s32 @!p0 $0x0, s1;
	[sflag:s0] =	ssyncset.done @!p0 $0x0  }
0xde: {  	[sflag:s0] =	ssyncadd.s32 @!p0 s1  }
0xdf: {  	[bflag:$0x3] =	sbarrier.arrive $0xFFFF  }
0xe0: {  	_ =	shalt  }

</sc_bundles>
